<compile_context>
chip_gen: v7x
topology: tpu7x:2x2x1
jax: 0.10.2.dev20260603
libtpu: 0.0.44.dev20260713+nightly
codegen_flags: <defaults>
</compile_context>

<pallas_src>
import functools

import jax
import jax.numpy as jnp
from jax import lax
from jax.experimental import pallas as pl
from jax.experimental.pallas import tpu as pltpu
from jax.experimental.pallas import tpu_sc as plsc

_VOCAB = 100000
_EMBED = 64
_B = 1024
_CTX = 10

_NC = 2
_NS = 16
_NW = _NC * _NS
_IDX_PER_W = _B * _CTX // _NW
_ROWS_PER_W = _B // _NW
_IDX_CHUNK = 80
_N_CHUNKS = _IDX_PER_W // _IDX_CHUNK


def _pool_sc(context, emb_table):
    idx = context.astype(jnp.int32).reshape(_B * _CTX // _IDX_CHUNK, _IDX_CHUNK)

    mesh = plsc.VectorSubcoreMesh(core_axis_name="c", subcore_axis_name="s")

    @functools.partial(
        pl.kernel,
        out_type=jax.ShapeDtypeStruct((_B, _EMBED), jnp.float32),
        mesh=mesh,
        scratch_types=[
            pltpu.VMEM((_N_CHUNKS, _IDX_CHUNK), jnp.int32),
            pltpu.VMEM((_IDX_PER_W, _EMBED), jnp.float32),
            pltpu.VMEM((_ROWS_PER_W, _EMBED), jnp.float32),
            pltpu.SemaphoreType.DMA,
        ],
        compiler_params=pltpu.CompilerParams(use_tc_tiling_on_sc=False),
    )
    def pool(idx_hbm, table_hbm, out_hbm, idx_v, rows_v, pooled_v, sem):
        wid = lax.axis_index("s") * _NC + lax.axis_index("c")
        pltpu.sync_copy(idx_hbm.at[pl.ds(wid * _N_CHUNKS, _N_CHUNKS)], idx_v)
        cps = [
            pltpu.async_copy(
                table_hbm.at[idx_v.at[c]],
                rows_v.at[pl.ds(c * _IDX_CHUNK, _IDX_CHUNK)],
                sem,
            )
            for c in range(_N_CHUNKS)
        ]
        for cp in cps:
            cp.wait()

        def row_body(r, carry):
            for v in range(_EMBED // 16):
                acc = rows_v[r * _CTX, pl.ds(v * 16, 16)]
                for j in range(1, _CTX):
                    acc = acc + rows_v[r * _CTX + j, pl.ds(v * 16, 16)]
                pooled_v[r, pl.ds(v * 16, 16)] = acc * (1.0 / _CTX)
            return carry

        lax.fori_loop(0, _ROWS_PER_W, row_body, 0)
        pltpu.sync_copy(pooled_v, out_hbm.at[pl.ds(wid * _ROWS_PER_W, _ROWS_PER_W)])

    return pool(idx, emb_table)


_VC = 2560
_NJ = -(-_VOCAB // _VC)
_VPAD = _NJ * _VC


def _tc_body(x_ref, w_ref, br_ref, o_ref, wb_s, s_s, r_t):
    p = pl.program_id(0)
    j = pl.program_id(1)

    xb = x_ref[...].astype(jnp.bfloat16)

    @pl.when(p == 0)
    def _pass0():
        col = j * _VC + lax.broadcasted_iota(jnp.int32, (_EMBED, _VC), 1)
        wb = jnp.where(col < _VOCAB, w_ref[...], 0.0).astype(jnp.bfloat16)
        wb_s[:, pl.ds(j * _VC, _VC)] = wb
        l = jnp.dot(xb, wb, preferred_element_type=jnp.float32) + br_ref[0]
        e_sum = jnp.sum(jnp.exp(l), axis=1, keepdims=True)

        @pl.when(j == 0)
        def _():
            s_s[...] = e_sum

        @pl.when(j > 0)
        def _():
            s_s[...] = s_s[...] + e_sum

    @pl.when(p == 1)
    def _pass1():
        @pl.when(j == 0)
        def _():
            r_t[...] = jnp.transpose(1.0 / s_s[...])

        l_t = lax.dot_general(
            wb_s[:, pl.ds(j * _VC, _VC)],
            xb,
            dimension_numbers=(((0,), (1,)), ((), ())),
            preferred_element_type=jnp.float32,
        ) + jnp.transpose(br_ref[0])
        o_ref[...] = jnp.exp(l_t) * r_t[...]


def _project_softmax(pooled, W, b):
    b_pad = jnp.pad(b, ((0, _VPAD - _VOCAB),), constant_values=-1e30)
    out_t = pl.pallas_call(
        _tc_body,
        grid=(2, _NJ),
        in_specs=[
            pl.BlockSpec((_B, _EMBED), lambda p, j: (0, 0)),
            pl.BlockSpec((_EMBED, _VC), lambda p, j: (0, j * (1 - p))),
            pl.BlockSpec((1, 1, _VC), lambda p, j: (j, 0, 0)),
        ],
        out_specs=pl.BlockSpec((_VC, _B), lambda p, j: (j * p, 0)),
        out_shape=jax.ShapeDtypeStruct((_VOCAB, _B), jnp.float32),
        scratch_shapes=[
            pltpu.VMEM((_EMBED, _VPAD), jnp.bfloat16),
            pltpu.VMEM((_B, 1), jnp.float32),
            pltpu.VMEM((1, _B), jnp.float32),
        ],
        compiler_params=pltpu.CompilerParams(
            dimension_semantics=("arbitrary", "arbitrary"),
            vmem_limit_bytes=63 * 1024 * 1024,
            fuse_transposed_lhs_in_matmul=True,
        ),
    )(
        pooled,
        W,
        b_pad.reshape(_NJ, 1, _VC),
    )
    return out_t.T


def kernel(context, emb_table, W, b):
    pooled = _pool_sc(context, emb_table)
    return _project_softmax(pooled, W, b)

# --- scband reference (transcript-rebuilt; emitter-appended) ---
"""Pipeline reference for scband-cbow-31971736551651 (READ-ONLY COPY).

The authoritative reference and input builder live on the scoring server;
editing this copy changes nothing except your own understanding.
"""

import jax, jax.numpy as jnp
import numpy as np

VOCAB = 100000
EMBED = 64
B = 1024
CTX = 10

def setup_inputs(seed: int = 0) -> dict:
    key = jax.random.key(seed)
    k1, k2, k3, k4 = jax.random.split(key, 4)
    context = jax.random.randint(k1, (B, CTX), 0, VOCAB, dtype=jnp.int64 if jax.config.read('jax_enable_x64') else jnp.int32)
    emb_table = jax.random.normal(k2, (VOCAB, EMBED), dtype=jnp.float32) * 0.02
    W = jax.random.normal(k3, (EMBED, VOCAB), dtype=jnp.float32) * 0.02
    b = jnp.zeros((VOCAB,), dtype=jnp.float32)
    return {"context": context, "emb_table": emb_table, "W": W, "b": b}

def reference(context, emb_table, W, b):
    # Embedding lookup: [B, CTX, EMBED]
    context_emb = jnp.take(emb_table, context, axis=0)
    # Mean over context window: [B, EMBED]
    avg_emb = jnp.mean(context_emb, axis=1)
    # Dense projection to vocab with softmax: [B, VOCAB]
    logits = avg_emb @ W + b
    return jax.nn.softmax(logits, axis=-1)

if __name__ == "__main__":
    import jax
    _d = setup_inputs()
    print(jax.jit(kernel)(*tuple(_d.values())))

</pallas_src>

<mosaic_0001>
#map = affine_map<(d0, d1) -> (0, 0)>
module attributes {stable_mosaic.version = 14 : i64} {
  func.func @pool(%arg0: i32, %arg1: i32, %arg2: memref<128x80xi32, #tpu.memory_space<hbm>>, %arg3: memref<100000x64xf32, #tpu.memory_space<hbm>>, %arg4: memref<1024x64xf32, #tpu.memory_space<hbm>>, %arg5: memref<4x80xi32, #tpu.memory_space<vmem>>, %arg6: memref<320x64xf32, #tpu.memory_space<vmem>>, %arg7: memref<32x64xf32, #tpu.memory_space<vmem>>, %arg8: memref<!tpu.dma_semaphore, #tpu.memory_space<semaphore_mem>>) attributes {dimension_semantics = [#tpu.dimension_semantics<core_parallel>, #tpu.dimension_semantics<subcore_parallel>], iteration_bounds = array<i64: 2, 16>, scalar_prefetch = 0 : i64, scratch_operands = 4 : i64, tpu.core_type = #tpu.core_type<sc_vector_subcore>, window_params = [{transform_indices = #map}, {transform_indices = #map}, {transform_indices = #map}]} {
    %mul3A = arith.constant 2 : i32
    %mul3A_0 = arith.muli %arg1, %mul3A : i32
    %add3A = arith.addi %mul3A_0, %arg0 : i32
    %mul3A_1 = arith.constant 4 : i32
    %mul3A_2 = arith.muli %add3A, %mul3A_1 : i32
    "tpu.region"() ({
      %run_scoped3A = tpu.sem_alloc : memref<!tpu.dma_semaphore, #tpu.memory_space<semaphore_mem>>
      %dma_start3A_88 = arith.constant 0 : i32
      %dma_start3A_89 = tpu.memref_slice %arg2[%mul3A_2, %dma_start3A_88] : memref<128x80xi32, #tpu.memory_space<hbm>> -> memref<4x80xi32, #tpu.memory_space<hbm>>
      %dma_start3A_90 = arith.constant 0 : i32
      %dma_start3A_91 = tpu.memref_slice %arg2[%mul3A_2, %dma_start3A_90] : memref<128x80xi32, #tpu.memory_space<hbm>> -> memref<4x80xi32, #tpu.memory_space<hbm>>
      tpu.enqueue_dma source(%dma_start3A_91 : memref<4x80xi32, #tpu.memory_space<hbm>>) target(%arg5 : memref<4x80xi32, #tpu.memory_space<vmem>>) target_semaphore(%run_scoped3A : memref<!tpu.dma_semaphore, #tpu.memory_space<semaphore_mem>>)
      %dma_wait3A_92 = arith.constant 0 : i32
      %dma_wait3A_93 = tpu.memref_slice %arg2[%mul3A_2, %dma_wait3A_92] : memref<128x80xi32, #tpu.memory_space<hbm>> -> memref<4x80xi32, #tpu.memory_space<hbm>>
      %dma_wait3A_94 = arith.constant 0 : i32
      %dma_wait3A_95 = tpu.memref_slice %arg2[%mul3A_2, %dma_wait3A_94] : memref<128x80xi32, #tpu.memory_space<hbm>> -> memref<4x80xi32, #tpu.memory_space<hbm>>
      tpu.wait_dma2 semaphore(%run_scoped3A : memref<!tpu.dma_semaphore, #tpu.memory_space<semaphore_mem>>) src(%dma_wait3A_95 : memref<4x80xi32, #tpu.memory_space<hbm>>) dst(%arg5 : memref<4x80xi32, #tpu.memory_space<vmem>>)
      tpu.yield
    }) : () -> ()
    %dma_start3A = arith.constant 0 : i32
    %dma_start3A_3 = arith.constant 0 : i32
    %dma_start3A_4 = arith.constant 0 : i32
    %dma_start3A_5 = tpu.memref_slice %arg6[%dma_start3A_3, %dma_start3A_4] : memref<320x64xf32, #tpu.memory_space<vmem>> -> memref<80x64xf32, #tpu.memory_space<vmem>>
    %dma_start3A_6 = arith.constant 0 : i32
    %dma_start3A_7 = tpu.memref_slice %arg5[%dma_start3A, %dma_start3A_6] : memref<4x80xi32, #tpu.memory_space<vmem>> -> memref<1x80xi32, #tpu.memory_space<vmem>>
    %dma_start3A_8 = tpu.memref_squeeze %dma_start3A_7 : memref<1x80xi32, #tpu.memory_space<vmem>> -> memref<80xi32, #tpu.memory_space<vmem>>
    %dma_start3A_9 = arith.constant 0 : i32
    %dma_start3A_10 = arith.constant 0 : i32
    %dma_start3A_11 = tpu.memref_slice %arg3[%dma_start3A_9, %dma_start3A_10] : memref<100000x64xf32, #tpu.memory_space<hbm>> -> memref<100000x64xf32, #tpu.memory_space<hbm>>
    tpu.enqueue_indirect_dma source(%dma_start3A_11 : memref<100000x64xf32, #tpu.memory_space<hbm>>) target(%dma_start3A_5 : memref<80x64xf32, #tpu.memory_space<vmem>>) offsets(%dma_start3A_8 : memref<80xi32, #tpu.memory_space<vmem>>) semaphore(%arg8 : memref<!tpu.dma_semaphore, #tpu.memory_space<semaphore_mem>>)
    %dma_start3A_12 = arith.constant 1 : i32
    %dma_start3A_13 = arith.constant 80 : i32
    %dma_start3A_14 = arith.constant 0 : i32
    %dma_start3A_15 = tpu.memref_slice %arg6[%dma_start3A_13, %dma_start3A_14] : memref<320x64xf32, #tpu.memory_space<vmem>> -> memref<80x64xf32, #tpu.memory_space<vmem>>
    %dma_start3A_16 = arith.constant 0 : i32
    %dma_start3A_17 = tpu.memref_slice %arg5[%dma_start3A_12, %dma_start3A_16] : memref<4x80xi32, #tpu.memory_space<vmem>> -> memref<1x80xi32, #tpu.memory_space<vmem>>
    %dma_start3A_18 = tpu.memref_squeeze %dma_start3A_17 : memref<1x80xi32, #tpu.memory_space<vmem>> -> memref<80xi32, #tpu.memory_space<vmem>>
    %dma_start3A_19 = arith.constant 0 : i32
    %dma_start3A_20 = arith.constant 0 : i32
    %dma_start3A_21 = tpu.memref_slice %arg3[%dma_start3A_19, %dma_start3A_20] : memref<100000x64xf32, #tpu.memory_space<hbm>> -> memref<100000x64xf32, #tpu.memory_space<hbm>>
    tpu.enqueue_indirect_dma source(%dma_start3A_21 : memref<100000x64xf32, #tpu.memory_space<hbm>>) target(%dma_start3A_15 : memref<80x64xf32, #tpu.memory_space<vmem>>) offsets(%dma_start3A_18 : memref<80xi32, #tpu.memory_space<vmem>>) semaphore(%arg8 : memref<!tpu.dma_semaphore, #tpu.memory_space<semaphore_mem>>)
    %dma_start3A_22 = arith.constant 2 : i32
    %dma_start3A_23 = arith.constant 160 : i32
    %dma_start3A_24 = arith.constant 0 : i32
    %dma_start3A_25 = tpu.memref_slice %arg6[%dma_start3A_23, %dma_start3A_24] : memref<320x64xf32, #tpu.memory_space<vmem>> -> memref<80x64xf32, #tpu.memory_space<vmem>>
    %dma_start3A_26 = arith.constant 0 : i32
    %dma_start3A_27 = tpu.memref_slice %arg5[%dma_start3A_22, %dma_start3A_26] : memref<4x80xi32, #tpu.memory_space<vmem>> -> memref<1x80xi32, #tpu.memory_space<vmem>>
    %dma_start3A_28 = tpu.memref_squeeze %dma_start3A_27 : memref<1x80xi32, #tpu.memory_space<vmem>> -> memref<80xi32, #tpu.memory_space<vmem>>
    %dma_start3A_29 = arith.constant 0 : i32
    %dma_start3A_30 = arith.constant 0 : i32
    %dma_start3A_31 = tpu.memref_slice %arg3[%dma_start3A_29, %dma_start3A_30] : memref<100000x64xf32, #tpu.memory_space<hbm>> -> memref<100000x64xf32, #tpu.memory_space<hbm>>
    tpu.enqueue_indirect_dma source(%dma_start3A_31 : memref<100000x64xf32, #tpu.memory_space<hbm>>) target(%dma_start3A_25 : memref<80x64xf32, #tpu.memory_space<vmem>>) offsets(%dma_start3A_28 : memref<80xi32, #tpu.memory_space<vmem>>) semaphore(%arg8 : memref<!tpu.dma_semaphore, #tpu.memory_space<semaphore_mem>>)
    %dma_start3A_32 = arith.constant 3 : i32
    %dma_start3A_33 = arith.constant 240 : i32
    %dma_start3A_34 = arith.constant 0 : i32
    %dma_start3A_35 = tpu.memref_slice %arg6[%dma_start3A_33, %dma_start3A_34] : memref<320x64xf32, #tpu.memory_space<vmem>> -> memref<80x64xf32, #tpu.memory_space<vmem>>
    %dma_start3A_36 = arith.constant 0 : i32
    %dma_start3A_37 = tpu.memref_slice %arg5[%dma_start3A_32, %dma_start3A_36] : memref<4x80xi32, #tpu.memory_space<vmem>> -> memref<1x80xi32, #tpu.memory_space<vmem>>
    %dma_start3A_38 = tpu.memref_squeeze %dma_start3A_37 : memref<1x80xi32, #tpu.memory_space<vmem>> -> memref<80xi32, #tpu.memory_space<vmem>>
    %dma_start3A_39 = arith.constant 0 : i32
    %dma_start3A_40 = arith.constant 0 : i32
    %dma_start3A_41 = tpu.memref_slice %arg3[%dma_start3A_39, %dma_start3A_40] : memref<100000x64xf32, #tpu.memory_space<hbm>> -> memref<100000x64xf32, #tpu.memory_space<hbm>>
    tpu.enqueue_indirect_dma source(%dma_start3A_41 : memref<100000x64xf32, #tpu.memory_space<hbm>>) target(%dma_start3A_35 : memref<80x64xf32, #tpu.memory_space<vmem>>) offsets(%dma_start3A_38 : memref<80xi32, #tpu.memory_space<vmem>>) semaphore(%arg8 : memref<!tpu.dma_semaphore, #tpu.memory_space<semaphore_mem>>)
    %dma_wait3A = arith.constant 0 : i32
    %dma_wait3A_42 = arith.constant 0 : i32
    %dma_wait3A_43 = arith.constant 0 : i32
    %dma_wait3A_44 = tpu.memref_slice %arg6[%dma_wait3A_42, %dma_wait3A_43] : memref<320x64xf32, #tpu.memory_space<vmem>> -> memref<80x64xf32, #tpu.memory_space<vmem>>
    %dma_wait3A_45 = arith.constant 0 : i32
    %dma_wait3A_46 = tpu.memref_slice %arg5[%dma_wait3A, %dma_wait3A_45] : memref<4x80xi32, #tpu.memory_space<vmem>> -> memref<1x80xi32, #tpu.memory_space<vmem>>
    %dma_wait3A_47 = tpu.memref_squeeze %dma_wait3A_46 : memref<1x80xi32, #tpu.memory_space<vmem>> -> memref<80xi32, #tpu.memory_space<vmem>>
    %dma_wait3A_48 = arith.constant 0 : i32
    %dma_wait3A_49 = arith.constant 0 : i32
    %dma_wait3A_50 = tpu.memref_slice %arg3[%dma_wait3A_48, %dma_wait3A_49] : memref<100000x64xf32, #tpu.memory_space<hbm>> -> memref<100000x64xf32, #tpu.memory_space<hbm>>
    tpu.wait_indirect_dma semaphore(%arg8 : memref<!tpu.dma_semaphore, #tpu.memory_space<semaphore_mem>>) src(%dma_wait3A_50 : memref<100000x64xf32, #tpu.memory_space<hbm>>) dst(%dma_wait3A_44 : memref<80x64xf32, #tpu.memory_space<vmem>>)
    %dma_wait3A_51 = arith.constant 1 : i32
    %dma_wait3A_52 = arith.constant 80 : i32
    %dma_wait3A_53 = arith.constant 0 : i32
    %dma_wait3A_54 = tpu.memref_slice %arg6[%dma_wait3A_52, %dma_wait3A_53] : memref<320x64xf32, #tpu.memory_space<vmem>> -> memref<80x64xf32, #tpu.memory_space<vmem>>
    %dma_wait3A_55 = arith.constant 0 : i32
    %dma_wait3A_56 = tpu.memref_slice %arg5[%dma_wait3A_51, %dma_wait3A_55] : memref<4x80xi32, #tpu.memory_space<vmem>> -> memref<1x80xi32, #tpu.memory_space<vmem>>
    %dma_wait3A_57 = tpu.memref_squeeze %dma_wait3A_56 : memref<1x80xi32, #tpu.memory_space<vmem>> -> memref<80xi32, #tpu.memory_space<vmem>>
    %dma_wait3A_58 = arith.constant 0 : i32
    %dma_wait3A_59 = arith.constant 0 : i32
    %dma_wait3A_60 = tpu.memref_slice %arg3[%dma_wait3A_58, %dma_wait3A_59] : memref<100000x64xf32, #tpu.memory_space<hbm>> -> memref<100000x64xf32, #tpu.memory_space<hbm>>
    tpu.wait_indirect_dma semaphore(%arg8 : memref<!tpu.dma_semaphore, #tpu.memory_space<semaphore_mem>>) src(%dma_wait3A_60 : memref<100000x64xf32, #tpu.memory_space<hbm>>) dst(%dma_wait3A_54 : memref<80x64xf32, #tpu.memory_space<vmem>>)
    %dma_wait3A_61 = arith.constant 2 : i32
    %dma_wait3A_62 = arith.constant 160 : i32
    %dma_wait3A_63 = arith.constant 0 : i32
    %dma_wait3A_64 = tpu.memref_slice %arg6[%dma_wait3A_62, %dma_wait3A_63] : memref<320x64xf32, #tpu.memory_space<vmem>> -> memref<80x64xf32, #tpu.memory_space<vmem>>
    %dma_wait3A_65 = arith.constant 0 : i32
    %dma_wait3A_66 = tpu.memref_slice %arg5[%dma_wait3A_61, %dma_wait3A_65] : memref<4x80xi32, #tpu.memory_space<vmem>> -> memref<1x80xi32, #tpu.memory_space<vmem>>
    %dma_wait3A_67 = tpu.memref_squeeze %dma_wait3A_66 : memref<1x80xi32, #tpu.memory_space<vmem>> -> memref<80xi32, #tpu.memory_space<vmem>>
    %dma_wait3A_68 = arith.constant 0 : i32
    %dma_wait3A_69 = arith.constant 0 : i32
    %dma_wait3A_70 = tpu.memref_slice %arg3[%dma_wait3A_68, %dma_wait3A_69] : memref<100000x64xf32, #tpu.memory_space<hbm>> -> memref<100000x64xf32, #tpu.memory_space<hbm>>
    tpu.wait_indirect_dma semaphore(%arg8 : memref<!tpu.dma_semaphore, #tpu.memory_space<semaphore_mem>>) src(%dma_wait3A_70 : memref<100000x64xf32, #tpu.memory_space<hbm>>) dst(%dma_wait3A_64 : memref<80x64xf32, #tpu.memory_space<vmem>>)
    %dma_wait3A_71 = arith.constant 3 : i32
    %dma_wait3A_72 = arith.constant 240 : i32
    %dma_wait3A_73 = arith.constant 0 : i32
    %dma_wait3A_74 = tpu.memref_slice %arg6[%dma_wait3A_72, %dma_wait3A_73] : memref<320x64xf32, #tpu.memory_space<vmem>> -> memref<80x64xf32, #tpu.memory_space<vmem>>
    %dma_wait3A_75 = arith.constant 0 : i32
    %dma_wait3A_76 = tpu.memref_slice %arg5[%dma_wait3A_71, %dma_wait3A_75] : memref<4x80xi32, #tpu.memory_space<vmem>> -> memref<1x80xi32, #tpu.memory_space<vmem>>
    %dma_wait3A_77 = tpu.memref_squeeze %dma_wait3A_76 : memref<1x80xi32, #tpu.memory_space<vmem>> -> memref<80xi32, #tpu.memory_space<vmem>>
    %dma_wait3A_78 = arith.constant 0 : i32
    %dma_wait3A_79 = arith.constant 0 : i32
    %dma_wait3A_80 = tpu.memref_slice %arg3[%dma_wait3A_78, %dma_wait3A_79] : memref<100000x64xf32, #tpu.memory_space<hbm>> -> memref<100000x64xf32, #tpu.memory_space<hbm>>
    tpu.wait_indirect_dma semaphore(%arg8 : memref<!tpu.dma_semaphore, #tpu.memory_space<semaphore_mem>>) src(%dma_wait3A_80 : memref<100000x64xf32, #tpu.memory_space<hbm>>) dst(%dma_wait3A_74 : memref<80x64xf32, #tpu.memory_space<vmem>>)
    %scan3A = arith.constant 0 : i32
    %scan3A_81 = arith.constant 0 : i32
    %scan3A_82 = arith.constant 32 : i32
    %scan3A_83 = arith.addi %scan3A_81, %scan3A_82 : i32
    %scan3A_84 = arith.constant 1 : i32
    scf.for %scan3A_88 = %scan3A_81 to %scan3A_83 step %scan3A_84  : i32 {
      %mul3A_89 = arith.constant 10 : i32
      %mul3A_90 = arith.muli %scan3A_88, %mul3A_89 : i32
      %get3A = arith.index_cast %mul3A_90 : i32 to index
      %get3A_91 = arith.constant 0 : index
      %get3A_92 = tpu.vector_load %arg6[%get3A, %get3A_91] {strides = array<i32>} : memref<320x64xf32, #tpu.memory_space<vmem>>, vector<1x16xf32>,
      %get3A_93 = vector.shape_cast %get3A_92 : vector<1x16xf32> to vector<16xf32>
      %mul3A_94 = arith.constant 10 : i32
      %mul3A_95 = arith.muli %scan3A_88, %mul3A_94 : i32
      %add3A_96 = arith.constant 1 : i32
      %add3A_97 = arith.addi %mul3A_95, %add3A_96 : i32
      %get3A_98 = arith.index_cast %add3A_97 : i32 to index
      %get3A_99 = arith.constant 0 : index
      %get3A_100 = tpu.vector_load %arg6[%get3A_98, %get3A_99] {strides = array<i32>} : memref<320x64xf32, #tpu.memory_space<vmem>>, vector<1x16xf32>,
      %get3A_101 = vector.shape_cast %get3A_100 : vector<1x16xf32> to vector<16xf32>
      %add3A_102 = arith.addf %get3A_93, %get3A_101 : vector<16xf32>
      %mul3A_103 = arith.constant 10 : i32
      %mul3A_104 = arith.muli %scan3A_88, %mul3A_103 : i32
      %add3A_105 = arith.constant 2 : i32
      %add3A_106 = arith.addi %mul3A_104, %add3A_105 : i32
      %get3A_107 = arith.index_cast %add3A_106 : i32 to index
      %get3A_108 = arith.constant 0 : index
      %get3A_109 = tpu.vector_load %arg6[%get3A_107, %get3A_108] {strides = array<i32>} : memref<320x64xf32, #tpu.memory_space<vmem>>, vector<1x16xf32>,
      %get3A_110 = vector.shape_cast %get3A_109 : vector<1x16xf32> to vector<16xf32>
      %add3A_111 = arith.addf %add3A_102, %get3A_110 : vector<16xf32>
      %mul3A_112 = arith.constant 10 : i32
      %mul3A_113 = arith.muli %scan3A_88, %mul3A_112 : i32
      %add3A_114 = arith.constant 3 : i32
      %add3A_115 = arith.addi %mul3A_113, %add3A_114 : i32
      %get3A_116 = arith.index_cast %add3A_115 : i32 to index
      %get3A_117 = arith.constant 0 : index
      %get3A_118 = tpu.vector_load %arg6[%get3A_116, %get3A_117] {strides = array<i32>} : memref<320x64xf32, #tpu.memory_space<vmem>>, vector<1x16xf32>,
      %get3A_119 = vector.shape_cast %get3A_118 : vector<1x16xf32> to vector<16xf32>
      %add3A_120 = arith.addf %add3A_111, %get3A_119 : vector<16xf32>
      %mul3A_121 = arith.constant 10 : i32
      %mul3A_122 = arith.muli %scan3A_88, %mul3A_121 : i32
      %add3A_123 = arith.constant 4 : i32
      %add3A_124 = arith.addi %mul3A_122, %add3A_123 : i32
      %get3A_125 = arith.index_cast %add3A_124 : i32 to index
      %get3A_126 = arith.constant 0 : index
      %get3A_127 = tpu.vector_load %arg6[%get3A_125, %get3A_126] {strides = array<i32>} : memref<320x64xf32, #tpu.memory_space<vmem>>, vector<1x16xf32>,
      %get3A_128 = vector.shape_cast %get3A_127 : vector<1x16xf32> to vector<16xf32>
      %add3A_129 = arith.addf %add3A_120, %get3A_128 : vector<16xf32>
      %mul3A_130 = arith.constant 10 : i32
      %mul3A_131 = arith.muli %scan3A_88, %mul3A_130 : i32
      %add3A_132 = arith.constant 5 : i32
      %add3A_133 = arith.addi %mul3A_131, %add3A_132 : i32
      %get3A_134 = arith.index_cast %add3A_133 : i32 to index
      %get3A_135 = arith.constant 0 : index
      %get3A_136 = tpu.vector_load %arg6[%get3A_134, %get3A_135] {strides = array<i32>} : memref<320x64xf32, #tpu.memory_space<vmem>>, vector<1x16xf32>,
      %get3A_137 = vector.shape_cast %get3A_136 : vector<1x16xf32> to vector<16xf32>
      %add3A_138 = arith.addf %add3A_129, %get3A_137 : vector<16xf32>
      %mul3A_139 = arith.constant 10 : i32
      %mul3A_140 = arith.muli %scan3A_88, %mul3A_139 : i32
      %add3A_141 = arith.constant 6 : i32
      %add3A_142 = arith.addi %mul3A_140, %add3A_141 : i32
      %get3A_143 = arith.index_cast %add3A_142 : i32 to index
      %get3A_144 = arith.constant 0 : index
      %get3A_145 = tpu.vector_load %arg6[%get3A_143, %get3A_144] {strides = array<i32>} : memref<320x64xf32, #tpu.memory_space<vmem>>, vector<1x16xf32>,
      %get3A_146 = vector.shape_cast %get3A_145 : vector<1x16xf32> to vector<16xf32>
      %add3A_147 = arith.addf %add3A_138, %get3A_146 : vector<16xf32>
      %mul3A_148 = arith.constant 10 : i32
      %mul3A_149 = arith.muli %scan3A_88, %mul3A_148 : i32
      %add3A_150 = arith.constant 7 : i32
      %add3A_151 = arith.addi %mul3A_149, %add3A_150 : i32
      %get3A_152 = arith.index_cast %add3A_151 : i32 to index
      %get3A_153 = arith.constant 0 : index
      %get3A_154 = tpu.vector_load %arg6[%get3A_152, %get3A_153] {strides = array<i32>} : memref<320x64xf32, #tpu.memory_space<vmem>>, vector<1x16xf32>,
      %get3A_155 = vector.shape_cast %get3A_154 : vector<1x16xf32> to vector<16xf32>
      %add3A_156 = arith.addf %add3A_147, %get3A_155 : vector<16xf32>
      %mul3A_157 = arith.constant 10 : i32
      %mul3A_158 = arith.muli %scan3A_88, %mul3A_157 : i32
      %add3A_159 = arith.constant 8 : i32
      %add3A_160 = arith.addi %mul3A_158, %add3A_159 : i32
      %get3A_161 = arith.index_cast %add3A_160 : i32 to index
      %get3A_162 = arith.constant 0 : index
      %get3A_163 = tpu.vector_load %arg6[%get3A_161, %get3A_162] {strides = array<i32>} : memref<320x64xf32, #tpu.memory_space<vmem>>, vector<1x16xf32>,
      %get3A_164 = vector.shape_cast %get3A_163 : vector<1x16xf32> to vector<16xf32>
      %add3A_165 = arith.addf %add3A_156, %get3A_164 : vector<16xf32>
      %mul3A_166 = arith.constant 10 : i32
      %mul3A_167 = arith.muli %scan3A_88, %mul3A_166 : i32
      %add3A_168 = arith.constant 9 : i32
      %add3A_169 = arith.addi %mul3A_167, %add3A_168 : i32
      %get3A_170 = arith.index_cast %add3A_169 : i32 to index
      %get3A_171 = arith.constant 0 : index
      %get3A_172 = tpu.vector_load %arg6[%get3A_170, %get3A_171] {strides = array<i32>} : memref<320x64xf32, #tpu.memory_space<vmem>>, vector<1x16xf32>,
      %get3A_173 = vector.shape_cast %get3A_172 : vector<1x16xf32> to vector<16xf32>
      %add3A_174 = arith.addf %add3A_165, %get3A_173 : vector<16xf32>
      %mul3A_175 = arith.constant 1.000000e-01 : f32
      %mul3A_176 = vector.broadcast %mul3A_175 : f32 to vector<16xf32>
      %mul3A_177 = arith.mulf %add3A_174, %mul3A_176 : vector<16xf32>
      %swap3A = arith.index_cast %scan3A_88 : i32 to index
      %swap3A_178 = arith.constant 0 : index
      %swap3A_179 = tpu.vector_load %arg7[%swap3A, %swap3A_178] {strides = array<i32>} : memref<32x64xf32, #tpu.memory_space<vmem>>, vector<1x16xf32>,
      %swap3A_180 = vector.shape_cast %swap3A_179 : vector<1x16xf32> to vector<16xf32>
      %swap3A_181 = vector.shape_cast %mul3A_177 : vector<16xf32> to vector<1x16xf32>
      tpu.vector_store %arg7[%swap3A, %swap3A_178], %swap3A_181 {strides = array<i32>} : memref<32x64xf32, #tpu.memory_space<vmem>>, vector<1x16xf32>,
      %mul3A_182 = arith.constant 10 : i32
      %mul3A_183 = arith.muli %scan3A_88, %mul3A_182 : i32
      %get3A_184 = arith.index_cast %mul3A_183 : i32 to index
      %get3A_185 = arith.constant 16 : index
      %get3A_186 = tpu.vector_load %arg6[%get3A_184, %get3A_185] {strides = array<i32>} : memref<320x64xf32, #tpu.memory_space<vmem>>, vector<1x16xf32>,
      %get3A_187 = vector.shape_cast %get3A_186 : vector<1x16xf32> to vector<16xf32>
      %mul3A_188 = arith.constant 10 : i32
      %mul3A_189 = arith.muli %scan3A_88, %mul3A_188 : i32
      %add3A_190 = arith.constant 1 : i32
      %add3A_191 = arith.addi %mul3A_189, %add3A_190 : i32
      %get3A_192 = arith.index_cast %add3A_191 : i32 to index
      %get3A_193 = arith.constant 16 : index
      %get3A_194 = tpu.vector_load %arg6[%get3A_192, %get3A_193] {strides = array<i32>} : memref<320x64xf32, #tpu.memory_space<vmem>>, vector<1x16xf32>,
      %get3A_195 = vector.shape_cast %get3A_194 : vector<1x16xf32> to vector<16xf32>
      %add3A_196 = arith.addf %get3A_187, %get3A_195 : vector<16xf32>
      %mul3A_197 = arith.constant 10 : i32
      %mul3A_198 = arith.muli %scan3A_88, %mul3A_197 : i32
      %add3A_199 = arith.constant 2 : i32
      %add3A_200 = arith.addi %mul3A_198, %add3A_199 : i32
      %get3A_201 = arith.index_cast %add3A_200 : i32 to index
      %get3A_202 = arith.constant 16 : index
      %get3A_203 = tpu.vector_load %arg6[%get3A_201, %get3A_202] {strides = array<i32>} : memref<320x64xf32, #tpu.memory_space<vmem>>, vector<1x16xf32>,
      %get3A_204 = vector.shape_cast %get3A_203 : vector<1x16xf32> to vector<16xf32>
      %add3A_205 = arith.addf %add3A_196, %get3A_204 : vector<16xf32>
      %mul3A_206 = arith.constant 10 : i32
      %mul3A_207 = arith.muli %scan3A_88, %mul3A_206 : i32
      %add3A_208 = arith.constant 3 : i32
      %add3A_209 = arith.addi %mul3A_207, %add3A_208 : i32
      %get3A_210 = arith.index_cast %add3A_209 : i32 to index
      %get3A_211 = arith.constant 16 : index
      %get3A_212 = tpu.vector_load %arg6[%get3A_210, %get3A_211] {strides = array<i32>} : memref<320x64xf32, #tpu.memory_space<vmem>>, vector<1x16xf32>,
      %get3A_213 = vector.shape_cast %get3A_212 : vector<1x16xf32> to vector<16xf32>
      %add3A_214 = arith.addf %add3A_205, %get3A_213 : vector<16xf32>
      %mul3A_215 = arith.constant 10 : i32
      %mul3A_216 = arith.muli %scan3A_88, %mul3A_215 : i32
      %add3A_217 = arith.constant 4 : i32
      %add3A_218 = arith.addi %mul3A_216, %add3A_217 : i32
      %get3A_219 = arith.index_cast %add3A_218 : i32 to index
      %get3A_220 = arith.constant 16 : index
      %get3A_221 = tpu.vector_load %arg6[%get3A_219, %get3A_220] {strides = array<i32>} : memref<320x64xf32, #tpu.memory_space<vmem>>, vector<1x16xf32>,
      %get3A_222 = vector.shape_cast %get3A_221 : vector<1x16xf32> to vector<16xf32>
      %add3A_223 = arith.addf %add3A_214, %get3A_222 : vector<16xf32>
      %mul3A_224 = arith.constant 10 : i32
      %mul3A_225 = arith.muli %scan3A_88, %mul3A_224 : i32
      %add3A_226 = arith.constant 5 : i32
      %add3A_227 = arith.addi %mul3A_225, %add3A_226 : i32
      %get3A_228 = arith.index_cast %add3A_227 : i32 to index
      %get3A_229 = arith.constant 16 : index
      %get3A_230 = tpu.vector_load %arg6[%get3A_228, %get3A_229] {strides = array<i32>} : memref<320x64xf32, #tpu.memory_space<vmem>>, vector<1x16xf32>,
      %get3A_231 = vector.shape_cast %get3A_230 : vector<1x16xf32> to vector<16xf32>
      %add3A_232 = arith.addf %add3A_223, %get3A_231 : vector<16xf32>
      %mul3A_233 = arith.constant 10 : i32
      %mul3A_234 = arith.muli %scan3A_88, %mul3A_233 : i32
      %add3A_235 = arith.constant 6 : i32
      %add3A_236 = arith.addi %mul3A_234, %add3A_235 : i32
      %get3A_237 = arith.index_cast %add3A_236 : i32 to index
      %get3A_238 = arith.constant 16 : index
      %get3A_239 = tpu.vector_load %arg6[%get3A_237, %get3A_238] {strides = array<i32>} : memref<320x64xf32, #tpu.memory_space<vmem>>, vector<1x16xf32>,
      %get3A_240 = vector.shape_cast %get3A_239 : vector<1x16xf32> to vector<16xf32>
      %add3A_241 = arith.addf %add3A_232, %get3A_240 : vector<16xf32>
      %mul3A_242 = arith.constant 10 : i32
      %mul3A_243 = arith.muli %scan3A_88, %mul3A_242 : i32
      %add3A_244 = arith.constant 7 : i32
      %add3A_245 = arith.addi %mul3A_243, %add3A_244 : i32
      %get3A_246 = arith.index_cast %add3A_245 : i32 to index
      %get3A_247 = arith.constant 16 : index
      %get3A_248 = tpu.vector_load %arg6[%get3A_246, %get3A_247] {strides = array<i32>} : memref<320x64xf32, #tpu.memory_space<vmem>>, vector<1x16xf32>,
      %get3A_249 = vector.shape_cast %get3A_248 : vector<1x16xf32> to vector<16xf32>
      %add3A_250 = arith.addf %add3A_241, %get3A_249 : vector<16xf32>
      %mul3A_251 = arith.constant 10 : i32
      %mul3A_252 = arith.muli %scan3A_88, %mul3A_251 : i32
      %add3A_253 = arith.constant 8 : i32
      %add3A_254 = arith.addi %mul3A_252, %add3A_253 : i32
      %get3A_255 = arith.index_cast %add3A_254 : i32 to index
      %get3A_256 = arith.constant 16 : index
      %get3A_257 = tpu.vector_load %arg6[%get3A_255, %get3A_256] {strides = array<i32>} : memref<320x64xf32, #tpu.memory_space<vmem>>, vector<1x16xf32>,
      %get3A_258 = vector.shape_cast %get3A_257 : vector<1x16xf32> to vector<16xf32>
      %add3A_259 = arith.addf %add3A_250, %get3A_258 : vector<16xf32>
      %mul3A_260 = arith.constant 10 : i32
      %mul3A_261 = arith.muli %scan3A_88, %mul3A_260 : i32
      %add3A_262 = arith.constant 9 : i32
      %add3A_263 = arith.addi %mul3A_261, %add3A_262 : i32
      %get3A_264 = arith.index_cast %add3A_263 : i32 to index
      %get3A_265 = arith.constant 16 : index
      %get3A_266 = tpu.vector_load %arg6[%get3A_264, %get3A_265] {strides = array<i32>} : memref<320x64xf32, #tpu.memory_space<vmem>>, vector<1x16xf32>,
      %get3A_267 = vector.shape_cast %get3A_266 : vector<1x16xf32> to vector<16xf32>
      %add3A_268 = arith.addf %add3A_259, %get3A_267 : vector<16xf32>
      %mul3A_269 = arith.constant 1.000000e-01 : f32
      %mul3A_270 = vector.broadcast %mul3A_269 : f32 to vector<16xf32>
      %mul3A_271 = arith.mulf %add3A_268, %mul3A_270 : vector<16xf32>
      %swap3A_272 = arith.index_cast %scan3A_88 : i32 to index
      %swap3A_273 = arith.constant 16 : index
      %swap3A_274 = tpu.vector_load %arg7[%swap3A_272, %swap3A_273] {strides = array<i32>} : memref<32x64xf32, #tpu.memory_space<vmem>>, vector<1x16xf32>,
      %swap3A_275 = vector.shape_cast %swap3A_274 : vector<1x16xf32> to vector<16xf32>
      %swap3A_276 = vector.shape_cast %mul3A_271 : vector<16xf32> to vector<1x16xf32>
      tpu.vector_store %arg7[%swap3A_272, %swap3A_273], %swap3A_276 {strides = array<i32>} : memref<32x64xf32, #tpu.memory_space<vmem>>, vector<1x16xf32>,
      %mul3A_277 = arith.constant 10 : i32
      %mul3A_278 = arith.muli %scan3A_88, %mul3A_277 : i32
      %get3A_279 = arith.index_cast %mul3A_278 : i32 to index
      %get3A_280 = arith.constant 32 : index
      %get3A_281 = tpu.vector_load %arg6[%get3A_279, %get3A_280] {strides = array<i32>} : memref<320x64xf32, #tpu.memory_space<vmem>>, vector<1x16xf32>,
      %get3A_282 = vector.shape_cast %get3A_281 : vector<1x16xf32> to vector<16xf32>
      %mul3A_283 = arith.constant 10 : i32
      %mul3A_284 = arith.muli %scan3A_88, %mul3A_283 : i32
      %add3A_285 = arith.constant 1 : i32
      %add3A_286 = arith.addi %mul3A_284, %add3A_285 : i32
      %get3A_287 = arith.index_cast %add3A_286 : i32 to index
      %get3A_288 = arith.constant 32 : index
      %get3A_289 = tpu.vector_load %arg6[%get3A_287, %get3A_288] {strides = array<i32>} : memref<320x64xf32, #tpu.memory_space<vmem>>, vector<1x16xf32>,
      %get3A_290 = vector.shape_cast %get3A_289 : vector<1x16xf32> to vector<16xf32>
      %add3A_291 = arith.addf %get3A_282, %get3A_290 : vector<16xf32>
      %mul3A_292 = arith.constant 10 : i32
      %mul3A_293 = arith.muli %scan3A_88, %mul3A_292 : i32
      %add3A_294 = arith.constant 2 : i32
      %add3A_295 = arith.addi %mul3A_293, %add3A_294 : i32
      %get3A_296 = arith.index_cast %add3A_295 : i32 to index
      %get3A_297 = arith.constant 32 : index
      %get3A_298 = tpu.vector_load %arg6[%get3A_296, %get3A_297] {strides = array<i32>} : memref<320x64xf32, #tpu.memory_space<vmem>>, vector<1x16xf32>,
      %get3A_299 = vector.shape_cast %get3A_298 : vector<1x16xf32> to vector<16xf32>
      %add3A_300 = arith.addf %add3A_291, %get3A_299 : vector<16xf32>
      %mul3A_301 = arith.constant 10 : i32
      %mul3A_302 = arith.muli %scan3A_88, %mul3A_301 : i32
      %add3A_303 = arith.constant 3 : i32
      %add3A_304 = arith.addi %mul3A_302, %add3A_303 : i32
      %get3A_305 = arith.index_cast %add3A_304 : i32 to index
      %get3A_306 = arith.constant 32 : index
      %get3A_307 = tpu.vector_load %arg6[%get3A_305, %get3A_306] {strides = array<i32>} : memref<320x64xf32, #tpu.memory_space<vmem>>, vector<1x16xf32>,
      %get3A_308 = vector.shape_cast %get3A_307 : vector<1x16xf32> to vector<16xf32>
      %add3A_309 = arith.addf %add3A_300, %get3A_308 : vector<16xf32>
      %mul3A_310 = arith.constant 10 : i32
      %mul3A_311 = arith.muli %scan3A_88, %mul3A_310 : i32
      %add3A_312 = arith.constant 4 : i32
      %add3A_313 = arith.addi %mul3A_311, %add3A_312 : i32
      %get3A_314 = arith.index_cast %add3A_313 : i32 to index
      %get3A_315 = arith.constant 32 : index
      %get3A_316 = tpu.vector_load %arg6[%get3A_314, %get3A_315] {strides = array<i32>} : memref<320x64xf32, #tpu.memory_space<vmem>>, vector<1x16xf32>,
      %get3A_317 = vector.shape_cast %get3A_316 : vector<1x16xf32> to vector<16xf32>
      %add3A_318 = arith.addf %add3A_309, %get3A_317 : vector<16xf32>
      %mul3A_319 = arith.constant 10 : i32
      %mul3A_320 = arith.muli %scan3A_88, %mul3A_319 : i32
      %add3A_321 = arith.constant 5 : i32
      %add3A_322 = arith.addi %mul3A_320, %add3A_321 : i32
      %get3A_323 = arith.index_cast %add3A_322 : i32 to index
      %get3A_324 = arith.constant 32 : index
      %get3A_325 = tpu.vector_load %arg6[%get3A_323, %get3A_324] {strides = array<i32>} : memref<320x64xf32, #tpu.memory_space<vmem>>, vector<1x16xf32>,
      %get3A_326 = vector.shape_cast %get3A_325 : vector<1x16xf32> to vector<16xf32>
      %add3A_327 = arith.addf %add3A_318, %get3A_326 : vector<16xf32>
      %mul3A_328 = arith.constant 10 : i32
      %mul3A_329 = arith.muli %scan3A_88, %mul3A_328 : i32
      %add3A_330 = arith.constant 6 : i32
      %add3A_331 = arith.addi %mul3A_329, %add3A_330 : i32
      %get3A_332 = arith.index_cast %add3A_331 : i32 to index
      %get3A_333 = arith.constant 32 : index
      %get3A_334 = tpu.vector_load %arg6[%get3A_332, %get3A_333] {strides = array<i32>} : memref<320x64xf32, #tpu.memory_space<vmem>>, vector<1x16xf32>,
      %get3A_335 = vector.shape_cast %get3A_334 : vector<1x16xf32> to vector<16xf32>
      %add3A_336 = arith.addf %add3A_327, %get3A_335 : vector<16xf32>
      %mul3A_337 = arith.constant 10 : i32
      %mul3A_338 = arith.muli %scan3A_88, %mul3A_337 : i32
      %add3A_339 = arith.constant 7 : i32
      %add3A_340 = arith.addi %mul3A_338, %add3A_339 : i32
      %get3A_341 = arith.index_cast %add3A_340 : i32 to index
      %get3A_342 = arith.constant 32 : index
      %get3A_343 = tpu.vector_load %arg6[%get3A_341, %get3A_342] {strides = array<i32>} : memref<320x64xf32, #tpu.memory_space<vmem>>, vector<1x16xf32>,
      %get3A_344 = vector.shape_cast %get3A_343 : vector<1x16xf32> to vector<16xf32>
      %add3A_345 = arith.addf %add3A_336, %get3A_344 : vector<16xf32>
      %mul3A_346 = arith.constant 10 : i32
      %mul3A_347 = arith.muli %scan3A_88, %mul3A_346 : i32
      %add3A_348 = arith.constant 8 : i32
      %add3A_349 = arith.addi %mul3A_347, %add3A_348 : i32
      %get3A_350 = arith.index_cast %add3A_349 : i32 to index
      %get3A_351 = arith.constant 32 : index
      %get3A_352 = tpu.vector_load %arg6[%get3A_350, %get3A_351] {strides = array<i32>} : memref<320x64xf32, #tpu.memory_space<vmem>>, vector<1x16xf32>,
      %get3A_353 = vector.shape_cast %get3A_352 : vector<1x16xf32> to vector<16xf32>
      %add3A_354 = arith.addf %add3A_345, %get3A_353 : vector<16xf32>
      %mul3A_355 = arith.constant 10 : i32
      %mul3A_356 = arith.muli %scan3A_88, %mul3A_355 : i32
      %add3A_357 = arith.constant 9 : i32
      %add3A_358 = arith.addi %mul3A_356, %add3A_357 : i32
      %get3A_359 = arith.index_cast %add3A_358 : i32 to index
      %get3A_360 = arith.constant 32 : index
      %get3A_361 = tpu.vector_load %arg6[%get3A_359, %get3A_360] {strides = array<i32>} : memref<320x64xf32, #tpu.memory_space<vmem>>, vector<1x16xf32>,
      %get3A_362 = vector.shape_cast %get3A_361 : vector<1x16xf32> to vector<16xf32>
      %add3A_363 = arith.addf %add3A_354, %get3A_362 : vector<16xf32>
      %mul3A_364 = arith.constant 1.000000e-01 : f32
      %mul3A_365 = vector.broadcast %mul3A_364 : f32 to vector<16xf32>
      %mul3A_366 = arith.mulf %add3A_363, %mul3A_365 : vector<16xf32>
      %swap3A_367 = arith.index_cast %scan3A_88 : i32 to index
      %swap3A_368 = arith.constant 32 : index
      %swap3A_369 = tpu.vector_load %arg7[%swap3A_367, %swap3A_368] {strides = array<i32>} : memref<32x64xf32, #tpu.memory_space<vmem>>, vector<1x16xf32>,
      %swap3A_370 = vector.shape_cast %swap3A_369 : vector<1x16xf32> to vector<16xf32>
      %swap3A_371 = vector.shape_cast %mul3A_366 : vector<16xf32> to vector<1x16xf32>
      tpu.vector_store %arg7[%swap3A_367, %swap3A_368], %swap3A_371 {strides = array<i32>} : memref<32x64xf32, #tpu.memory_space<vmem>>, vector<1x16xf32>,
      %mul3A_372 = arith.constant 10 : i32
      %mul3A_373 = arith.muli %scan3A_88, %mul3A_372 : i32
      %get3A_374 = arith.index_cast %mul3A_373 : i32 to index
      %get3A_375 = arith.constant 48 : index
      %get3A_376 = tpu.vector_load %arg6[%get3A_374, %get3A_375] {strides = array<i32>} : memref<320x64xf32, #tpu.memory_space<vmem>>, vector<1x16xf32>,
      %get3A_377 = vector.shape_cast %get3A_376 : vector<1x16xf32> to vector<16xf32>
      %mul3A_378 = arith.constant 10 : i32
      %mul3A_379 = arith.muli %scan3A_88, %mul3A_378 : i32
      %add3A_380 = arith.constant 1 : i32
      %add3A_381 = arith.addi %mul3A_379, %add3A_380 : i32
      %get3A_382 = arith.index_cast %add3A_381 : i32 to index
      %get3A_383 = arith.constant 48 : index
      %get3A_384 = tpu.vector_load %arg6[%get3A_382, %get3A_383] {strides = array<i32>} : memref<320x64xf32, #tpu.memory_space<vmem>>, vector<1x16xf32>,
      %get3A_385 = vector.shape_cast %get3A_384 : vector<1x16xf32> to vector<16xf32>
      %add3A_386 = arith.addf %get3A_377, %get3A_385 : vector<16xf32>
      %mul3A_387 = arith.constant 10 : i32
      %mul3A_388 = arith.muli %scan3A_88, %mul3A_387 : i32
      %add3A_389 = arith.constant 2 : i32
      %add3A_390 = arith.addi %mul3A_388, %add3A_389 : i32
      %get3A_391 = arith.index_cast %add3A_390 : i32 to index
      %get3A_392 = arith.constant 48 : index
      %get3A_393 = tpu.vector_load %arg6[%get3A_391, %get3A_392] {strides = array<i32>} : memref<320x64xf32, #tpu.memory_space<vmem>>, vector<1x16xf32>,
      %get3A_394 = vector.shape_cast %get3A_393 : vector<1x16xf32> to vector<16xf32>
      %add3A_395 = arith.addf %add3A_386, %get3A_394 : vector<16xf32>
      %mul3A_396 = arith.constant 10 : i32
      %mul3A_397 = arith.muli %scan3A_88, %mul3A_396 : i32
      %add3A_398 = arith.constant 3 : i32
      %add3A_399 = arith.addi %mul3A_397, %add3A_398 : i32
      %get3A_400 = arith.index_cast %add3A_399 : i32 to index
      %get3A_401 = arith.constant 48 : index
      %get3A_402 = tpu.vector_load %arg6[%get3A_400, %get3A_401] {strides = array<i32>} : memref<320x64xf32, #tpu.memory_space<vmem>>, vector<1x16xf32>,
      %get3A_403 = vector.shape_cast %get3A_402 : vector<1x16xf32> to vector<16xf32>
      %add3A_404 = arith.addf %add3A_395, %get3A_403 : vector<16xf32>
      %mul3A_405 = arith.constant 10 : i32
      %mul3A_406 = arith.muli %scan3A_88, %mul3A_405 : i32
      %add3A_407 = arith.constant 4 : i32
      %add3A_408 = arith.addi %mul3A_406, %add3A_407 : i32
      %get3A_409 = arith.index_cast %add3A_408 : i32 to index
      %get3A_410 = arith.constant 48 : index
      %get3A_411 = tpu.vector_load %arg6[%get3A_409, %get3A_410] {strides = array<i32>} : memref<320x64xf32, #tpu.memory_space<vmem>>, vector<1x16xf32>,
      %get3A_412 = vector.shape_cast %get3A_411 : vector<1x16xf32> to vector<16xf32>
      %add3A_413 = arith.addf %add3A_404, %get3A_412 : vector<16xf32>
      %mul3A_414 = arith.constant 10 : i32
      %mul3A_415 = arith.muli %scan3A_88, %mul3A_414 : i32
      %add3A_416 = arith.constant 5 : i32
      %add3A_417 = arith.addi %mul3A_415, %add3A_416 : i32
      %get3A_418 = arith.index_cast %add3A_417 : i32 to index
      %get3A_419 = arith.constant 48 : index
      %get3A_420 = tpu.vector_load %arg6[%get3A_418, %get3A_419] {strides = array<i32>} : memref<320x64xf32, #tpu.memory_space<vmem>>, vector<1x16xf32>,
      %get3A_421 = vector.shape_cast %get3A_420 : vector<1x16xf32> to vector<16xf32>
      %add3A_422 = arith.addf %add3A_413, %get3A_421 : vector<16xf32>
      %mul3A_423 = arith.constant 10 : i32
      %mul3A_424 = arith.muli %scan3A_88, %mul3A_423 : i32
      %add3A_425 = arith.constant 6 : i32
      %add3A_426 = arith.addi %mul3A_424, %add3A_425 : i32
      %get3A_427 = arith.index_cast %add3A_426 : i32 to index
      %get3A_428 = arith.constant 48 : index
      %get3A_429 = tpu.vector_load %arg6[%get3A_427, %get3A_428] {strides = array<i32>} : memref<320x64xf32, #tpu.memory_space<vmem>>, vector<1x16xf32>,
      %get3A_430 = vector.shape_cast %get3A_429 : vector<1x16xf32> to vector<16xf32>
      %add3A_431 = arith.addf %add3A_422, %get3A_430 : vector<16xf32>
      %mul3A_432 = arith.constant 10 : i32
      %mul3A_433 = arith.muli %scan3A_88, %mul3A_432 : i32
      %add3A_434 = arith.constant 7 : i32
      %add3A_435 = arith.addi %mul3A_433, %add3A_434 : i32
      %get3A_436 = arith.index_cast %add3A_435 : i32 to index
      %get3A_437 = arith.constant 48 : index
      %get3A_438 = tpu.vector_load %arg6[%get3A_436, %get3A_437] {strides = array<i32>} : memref<320x64xf32, #tpu.memory_space<vmem>>, vector<1x16xf32>,
      %get3A_439 = vector.shape_cast %get3A_438 : vector<1x16xf32> to vector<16xf32>
      %add3A_440 = arith.addf %add3A_431, %get3A_439 : vector<16xf32>
      %mul3A_441 = arith.constant 10 : i32
      %mul3A_442 = arith.muli %scan3A_88, %mul3A_441 : i32
      %add3A_443 = arith.constant 8 : i32
      %add3A_444 = arith.addi %mul3A_442, %add3A_443 : i32
      %get3A_445 = arith.index_cast %add3A_444 : i32 to index
      %get3A_446 = arith.constant 48 : index
      %get3A_447 = tpu.vector_load %arg6[%get3A_445, %get3A_446] {strides = array<i32>} : memref<320x64xf32, #tpu.memory_space<vmem>>, vector<1x16xf32>,
      %get3A_448 = vector.shape_cast %get3A_447 : vector<1x16xf32> to vector<16xf32>
      %add3A_449 = arith.addf %add3A_440, %get3A_448 : vector<16xf32>
      %mul3A_450 = arith.constant 10 : i32
      %mul3A_451 = arith.muli %scan3A_88, %mul3A_450 : i32
      %add3A_452 = arith.constant 9 : i32
      %add3A_453 = arith.addi %mul3A_451, %add3A_452 : i32
      %get3A_454 = arith.index_cast %add3A_453 : i32 to index
      %get3A_455 = arith.constant 48 : index
      %get3A_456 = tpu.vector_load %arg6[%get3A_454, %get3A_455] {strides = array<i32>} : memref<320x64xf32, #tpu.memory_space<vmem>>, vector<1x16xf32>,
      %get3A_457 = vector.shape_cast %get3A_456 : vector<1x16xf32> to vector<16xf32>
      %add3A_458 = arith.addf %add3A_449, %get3A_457 : vector<16xf32>
      %mul3A_459 = arith.constant 1.000000e-01 : f32
      %mul3A_460 = vector.broadcast %mul3A_459 : f32 to vector<16xf32>
      %mul3A_461 = arith.mulf %add3A_458, %mul3A_460 : vector<16xf32>
      %swap3A_462 = arith.index_cast %scan3A_88 : i32 to index
      %swap3A_463 = arith.constant 48 : index
      %swap3A_464 = tpu.vector_load %arg7[%swap3A_462, %swap3A_463] {strides = array<i32>} : memref<32x64xf32, #tpu.memory_space<vmem>>, vector<1x16xf32>,
      %swap3A_465 = vector.shape_cast %swap3A_464 : vector<1x16xf32> to vector<16xf32>
      %swap3A_466 = vector.shape_cast %mul3A_461 : vector<16xf32> to vector<1x16xf32>
      tpu.vector_store %arg7[%swap3A_462, %swap3A_463], %swap3A_466 {strides = array<i32>} : memref<32x64xf32, #tpu.memory_space<vmem>>, vector<1x16xf32>,
    }
    %scan3A_85 = arith.constant 32 : i32
    %mul3A_86 = arith.constant 32 : i32
    %mul3A_87 = arith.muli %add3A, %mul3A_86 : i32
    "tpu.region"() ({
      %run_scoped3A = tpu.sem_alloc : memref<!tpu.dma_semaphore, #tpu.memory_space<semaphore_mem>>
      %dma_start3A_88 = arith.constant 0 : i32
      %dma_start3A_89 = tpu.memref_slice %arg4[%mul3A_87, %dma_start3A_88] : memref<1024x64xf32, #tpu.memory_space<hbm>> -> memref<32x64xf32, #tpu.memory_space<hbm>>
      %dma_start3A_90 = arith.constant 0 : i32
      %dma_start3A_91 = tpu.memref_slice %arg4[%mul3A_87, %dma_start3A_90] : memref<1024x64xf32, #tpu.memory_space<hbm>> -> memref<32x64xf32, #tpu.memory_space<hbm>>
      tpu.enqueue_dma source(%arg7 : memref<32x64xf32, #tpu.memory_space<vmem>>) target(%dma_start3A_91 : memref<32x64xf32, #tpu.memory_space<hbm>>) target_semaphore(%run_scoped3A : memref<!tpu.dma_semaphore, #tpu.memory_space<semaphore_mem>>)
      %dma_wait3A_92 = arith.constant 0 : i32
      %dma_wait3A_93 = tpu.memref_slice %arg4[%mul3A_87, %dma_wait3A_92] : memref<1024x64xf32, #tpu.memory_space<hbm>> -> memref<32x64xf32, #tpu.memory_space<hbm>>
      %dma_wait3A_94 = arith.constant 0 : i32
      %dma_wait3A_95 = tpu.memref_slice %arg4[%mul3A_87, %dma_wait3A_94] : memref<1024x64xf32, #tpu.memory_space<hbm>> -> memref<32x64xf32, #tpu.memory_space<hbm>>
      tpu.wait_dma2 semaphore(%run_scoped3A : memref<!tpu.dma_semaphore, #tpu.memory_space<semaphore_mem>>) src(%arg7 : memref<32x64xf32, #tpu.memory_space<vmem>>) dst(%dma_wait3A_95 : memref<32x64xf32, #tpu.memory_space<hbm>>)
      tpu.yield
    }) : () -> ()
    return
  }
}

module attributes {stable_mosaic.version = 14 : i64} {
  func.func @_tc_body(%arg0: i32, %arg1: i32, %arg2: memref<1024x64xf32, #tpu.memory_space<vmem>>, %arg3: memref<64x2560xf32, #tpu.memory_space<vmem>>, %arg4: memref<1x1x2560xf32, #tpu.memory_space<vmem>>, %arg5: memref<2560x1024xf32, #tpu.memory_space<vmem>>, %arg6: memref<64x102400xbf16, #tpu.memory_space<vmem>>, %arg7: memref<1024x1xf32, #tpu.memory_space<vmem>>, %arg8: memref<1x1024xf32, #tpu.memory_space<vmem>>) attributes {dimension_semantics = [#tpu.dimension_semantics<arbitrary>, #tpu.dimension_semantics<arbitrary>], iteration_bounds = array<i64: 2, 40>, scalar_prefetch = 0 : i64, scratch_operands = 3 : i64, tpu.core_type = #tpu.core_type<tc>, window_params = [{pipeline_mode = #tpu.pipeline_mode<synchronous>, transform_indices = @transform_0, window_bounds = array<i64: 1024, 64>}, {transform_indices = @transform_1, window_bounds = array<i64: 64, 2560>}, {transform_indices = @transform_2, window_bounds = array<i64: 1, 1, 2560>}, {transform_indices = @transform_3, window_bounds = array<i64: 2560, 1024>}]} {
    %get3A = arith.constant 0 : index
    %get3A_0 = arith.constant 0 : index
    %get3A_1 = vector.load %arg2[%get3A, %get3A_0] : memref<1024x64xf32, #tpu.memory_space<vmem>>, vector<1024x64xf32>
    %convert_element_type3A = arith.truncf %get3A_1 : vector<1024x64xf32> to vector<1024x64xbf16>
    %eq3A = arith.constant 0 : i32
    %eq3A_2 = arith.cmpi eq, %arg0, %eq3A : i32
    %convert_element_type3A_3 = arith.extui %eq3A_2 : i1 to i32
    %cond3A = arith.constant 0 : i32
    %cond3A_4 = arith.cmpi ne, %convert_element_type3A_3, %cond3A : i32
    scf.if %cond3A_4 {
      %mul3A = arith.constant 2560 : i32
      %mul3A_10 = arith.muli %arg1, %mul3A : i32
      %iota3A = tpu.iota {dimensions = array<i32: 1>} : vector<64x2560xi32>
      %add3A = vector.broadcast %mul3A_10 : i32 to vector<64x2560xi32>
      %add3A_11 = arith.addi %add3A, %iota3A : vector<64x2560xi32>
      %lt3A = arith.constant 100000 : i32
      %lt3A_12 = vector.broadcast %lt3A : i32 to vector<64x2560xi32>
      %lt3A_13 = arith.cmpi slt, %add3A_11, %lt3A_12 : vector<64x2560xi32>
      %get3A_14 = arith.constant 0 : index
      %get3A_15 = arith.constant 0 : index
      %get3A_16 = vector.load %arg3[%get3A_14, %get3A_15] : memref<64x2560xf32, #tpu.memory_space<vmem>>, vector<64x2560xf32>
      %jit3A = arith.constant 0.000000e+00 : f32
      %broadcast_in_dim3A = vector.broadcast %jit3A : f32 to vector<64x2560xf32>
      %select_n3A = arith.select %lt3A_13, %get3A_16, %broadcast_in_dim3A : vector<64x2560xi1>, vector<64x2560xf32>
      %convert_element_type3A_17 = arith.truncf %select_n3A : vector<64x2560xf32> to vector<64x2560xbf16>
      %mul3A_18 = arith.constant 2560 : i32
      %mul3A_19 = arith.muli %arg1, %mul3A_18 : i32
      %swap3A = arith.constant 0 : index
      %swap3A_20 = arith.index_cast %mul3A_19 : i32 to index
      %swap3A_21 = vector.load %arg6[%swap3A, %swap3A_20] : memref<64x102400xbf16, #tpu.memory_space<vmem>>, vector<64x2560xbf16>
      tpu.vector_store %arg6[%swap3A, %swap3A_20], %convert_element_type3A_17 {strides = array<i32>} : memref<64x102400xbf16, #tpu.memory_space<vmem>>, vector<64x2560xbf16>,
      %dot_general3A = arith.constant dense<0.000000e+00> : vector<1024x2560xf32>
      %dot_general3A_22 = tpu.matmul %convert_element_type3A, %convert_element_type3A_17, %dot_general3A {dimension_numbers = #tpu.dot_dimension_numbers<[1], [0], [0], [1], [0, 0, 1, 1], [], []>, transpose_lhs_hint = false} : vector<1024x64xbf16>, vector<64x2560xbf16>, vector<1024x2560xf32> -> vector<1024x2560xf32>
      %get3A_23 = arith.constant 0 : index
      %get3A_24 = arith.constant 0 : index
      %get3A_25 = arith.constant 0 : index
      %get3A_26 = vector.load %arg4[%get3A_23, %get3A_24, %get3A_25] : memref<1x1x2560xf32, #tpu.memory_space<vmem>>, vector<1x1x2560xf32>
      %get3A_27 = vector.shape_cast %get3A_26 : vector<1x1x2560xf32> to vector<1x2560xf32>
      %add3A_28 = vector.broadcast %get3A_27 : vector<1x2560xf32> to vector<1024x2560xf32>
      %add3A_29 = arith.addf %dot_general3A_22, %add3A_28 : vector<1024x2560xf32>
      %exp3A = math.exp %add3A_29 : vector<1024x2560xf32>
      %reduce_sum3A = arith.constant dense<0.000000e+00> : vector<1024xf32>
      %reduce_sum3A_30 = vector.multi_reduction <add>, %exp3A, %reduce_sum3A [1] : vector<1024x2560xf32> to vector<1024xf32>
      %broadcast_in_dim3A_31 = vector.shape_cast %reduce_sum3A_30 : vector<1024xf32> to vector<1024x1xf32>
      %eq3A_32 = arith.constant 0 : i32
      %eq3A_33 = arith.cmpi eq, %arg1, %eq3A_32 : i32
      %convert_element_type3A_34 = arith.extui %eq3A_33 : i1 to i32
      %cond3A_35 = arith.constant 0 : i32
      %cond3A_36 = arith.cmpi ne, %convert_element_type3A_34, %cond3A_35 : i32
      scf.if %cond3A_36 {
        %swap3A_41 = arith.constant 0 : index
        %swap3A_42 = arith.constant 0 : index
        %swap3A_43 = vector.load %arg7[%swap3A_41, %swap3A_42] : memref<1024x1xf32, #tpu.memory_space<vmem>>, vector<1024x1xf32>
        tpu.vector_store %arg7[%swap3A_41, %swap3A_42], %broadcast_in_dim3A_31 {strides = array<i32>} : memref<1024x1xf32, #tpu.memory_space<vmem>>, vector<1024x1xf32>,
      } else {
      }
      %gt3A = arith.constant 0 : i32
      %gt3A_37 = arith.cmpi sgt, %arg1, %gt3A : i32
      %convert_element_type3A_38 = arith.extui %gt3A_37 : i1 to i32
      %cond3A_39 = arith.constant 0 : i32
      %cond3A_40 = arith.cmpi ne, %convert_element_type3A_38, %cond3A_39 : i32
      scf.if %cond3A_40 {
        %get3A_41 = arith.constant 0 : index
        %get3A_42 = arith.constant 0 : index
        %get3A_43 = vector.load %arg7[%get3A_41, %get3A_42] : memref<1024x1xf32, #tpu.memory_space<vmem>>, vector<1024x1xf32>
        %add3A_44 = arith.addf %get3A_43, %broadcast_in_dim3A_31 : vector<1024x1xf32>
        %swap3A_45 = arith.constant 0 : index
        %swap3A_46 = arith.constant 0 : index
        %swap3A_47 = vector.load %arg7[%swap3A_45, %swap3A_46] : memref<1024x1xf32, #tpu.memory_space<vmem>>, vector<1024x1xf32>
        tpu.vector_store %arg7[%swap3A_45, %swap3A_46], %add3A_44 {strides = array<i32>} : memref<1024x1xf32, #tpu.memory_space<vmem>>, vector<1024x1xf32>,
      } else {
      }
    } else {
    }
    %eq3A_5 = arith.constant 1 : i32
    %eq3A_6 = arith.cmpi eq, %arg0, %eq3A_5 : i32
    %convert_element_type3A_7 = arith.extui %eq3A_6 : i1 to i32
    %cond3A_8 = arith.constant 0 : i32
    %cond3A_9 = arith.cmpi ne, %convert_element_type3A_7, %cond3A_8 : i32
    scf.if %cond3A_9 {
      %eq3A_10 = arith.constant 0 : i32
      %eq3A_11 = arith.cmpi eq, %arg1, %eq3A_10 : i32
      %convert_element_type3A_12 = arith.extui %eq3A_11 : i1 to i32
      %cond3A_13 = arith.constant 0 : i32
      %cond3A_14 = arith.cmpi ne, %convert_element_type3A_12, %cond3A_13 : i32
      scf.if %cond3A_14 {
        %get3A_33 = arith.constant 0 : index
        %get3A_34 = arith.constant 0 : index
        %get3A_35 = vector.load %arg7[%get3A_33, %get3A_34] : memref<1024x1xf32, #tpu.memory_space<vmem>>, vector<1024x1xf32>
        %div3A = arith.constant 1.000000e+00 : f32
        %div3A_36 = vector.broadcast %div3A : f32 to vector<1024x1xf32>
        %div3A_37 = arith.divf %div3A_36, %get3A_35 : vector<1024x1xf32>
        %transpose3A_38 = tpu.transpose %div3A_37, [1, 0] : vector<1024x1xf32> -> vector<1x1024xf32>
        %swap3A_39 = arith.constant 0 : index
        %swap3A_40 = arith.constant 0 : index
        %swap3A_41 = vector.load %arg8[%swap3A_39, %swap3A_40] : memref<1x1024xf32, #tpu.memory_space<vmem>>, vector<1x1024xf32>
        tpu.vector_store %arg8[%swap3A_39, %swap3A_40], %transpose3A_38 {strides = array<i32>} : memref<1x1024xf32, #tpu.memory_space<vmem>>, vector<1x1024xf32>,
      } else {
      }
      %mul3A = arith.constant 2560 : i32
      %mul3A_15 = arith.muli %arg1, %mul3A : i32
      %get3A_16 = arith.constant 0 : index
      %get3A_17 = arith.index_cast %mul3A_15 : i32 to index
      %get3A_18 = vector.load %arg6[%get3A_16, %get3A_17] : memref<64x102400xbf16, #tpu.memory_space<vmem>>, vector<64x2560xbf16>
      %dot_general3A = arith.constant dense<0.000000e+00> : vector<2560x1024xf32>
      %dot_general3A_19 = tpu.matmul %get3A_18, %convert_element_type3A, %dot_general3A {dimension_numbers = #tpu.dot_dimension_numbers<[0], [1], [1], [0], [0, 1, 1, 0], [], []>, transpose_lhs_hint = true} : vector<64x2560xbf16>, vector<1024x64xbf16>, vector<2560x1024xf32> -> vector<2560x1024xf32>
      %get3A_20 = arith.constant 0 : index
      %get3A_21 = arith.constant 0 : index
      %get3A_22 = arith.constant 0 : index
      %get3A_23 = vector.load %arg4[%get3A_20, %get3A_21, %get3A_22] : memref<1x1x2560xf32, #tpu.memory_space<vmem>>, vector<1x1x2560xf32>
      %get3A_24 = vector.shape_cast %get3A_23 : vector<1x1x2560xf32> to vector<1x2560xf32>
      %transpose3A = tpu.transpose %get3A_24, [1, 0] : vector<1x2560xf32> -> vector<2560x1xf32>
      %add3A = vector.broadcast %transpose3A : vector<2560x1xf32> to vector<2560x1024xf32>
      %add3A_25 = arith.addf %dot_general3A_19, %add3A : vector<2560x1024xf32>
      %exp3A = math.exp %add3A_25 : vector<2560x1024xf32>
      %get3A_26 = arith.constant 0 : index
      %get3A_27 = arith.constant 0 : index
      %get3A_28 = vector.load %arg8[%get3A_26, %get3A_27] : memref<1x1024xf32, #tpu.memory_space<vmem>>, vector<1x1024xf32>
      %mul3A_29 = vector.broadcast %get3A_28 : vector<1x1024xf32> to vector<2560x1024xf32>
      %mul3A_30 = arith.mulf %exp3A, %mul3A_29 : vector<2560x1024xf32>
      %swap3A = arith.constant 0 : index
      %swap3A_31 = arith.constant 0 : index
      %swap3A_32 = vector.load %arg5[%swap3A, %swap3A_31] : memref<2560x1024xf32, #tpu.memory_space<vmem>>, vector<2560x1024xf32>
      tpu.vector_store %arg5[%swap3A, %swap3A_31], %mul3A_30 {strides = array<i32>} : memref<2560x1024xf32, #tpu.memory_space<vmem>>, vector<2560x1024xf32>,
    } else {
    }
    return
  }
  func.func @transform_0(%arg0: i32, %arg1: i32) -> (i32, i32) {
    %c0_i32 = arith.constant 0 : i32
    %c0_i32_0 = arith.constant 0 : i32
    %c0_i32_1 = arith.constant 0 : i32
    return %c0_i32, %c0_i32_0 : i32, i32
  }
  func.func @transform_1(%arg0: i32, %arg1: i32) -> (i32, i32) {
    %sub3A = arith.constant 1 : i32
    %sub3A_0 = arith.subi %sub3A, %arg0 : i32
    %mul3A = arith.muli %arg1, %sub3A_0 : i32
    %c0_i32 = arith.constant 0 : i32
    %c0_i32_1 = arith.constant 0 : i32
    return %c0_i32, %mul3A : i32, i32
  }
  func.func @transform_2(%arg0: i32, %arg1: i32) -> (i32, i32, i32) {
    %c0_i32 = arith.constant 0 : i32
    %c0_i32_0 = arith.constant 0 : i32
    %c0_i32_1 = arith.constant 0 : i32
    return %arg1, %c0_i32, %c0_i32_0 : i32, i32, i32
  }
  func.func @transform_3(%arg0: i32, %arg1: i32) -> (i32, i32) {
    %mul3A = arith.muli %arg1, %arg0 : i32
    %c0_i32 = arith.constant 0 : i32
    %c0_i32_0 = arith.constant 0 : i32
    return %mul3A, %c0_i32 : i32, i32
  }
}

</mosaic_0001>

<sc_bundles>
// kernel: kernel.4.cloned.1.call-start
scs
__scs_entry_jumppad:
0x0: {  	(pc) =	sbr.rel $0x88, $3  }
0x1: {  	(tag) =	ssettag $0x0;
	lr =	simm.s32 $0x1  }
0x2: {  	[smem:$0x3F9D] =	sst lr;
	_ =	strace $0xD0000000  }
0x3: {  	_ = 	snop  }
0x4: {  	_ = 	snop  }
0x5: {  	_ = 	snop  }
0x6: {  	_ = 	snop  }
0x7: {  	_ = 	snop  }
__scs_overlays_trampoline_lowered:
0x8: {  	[smem:$0x3FAC] =	sst s0  }
0x9: {  	[smem:$0x3FAD] =	sst s1  }
0xa: {  	[smem:$0x3FAE] =	sst s2  }
0xb: {  	[smem:$0x3FAF] =	sst s3  }
0xc: {  	[smem:$0x3FB0] =	sst s4  }
0xd: {  	[smem:$0x3FB1] =	sst s5  }
0xe: {  	[smem:$0x3FB2] =	sst s6  }
0xf: {  	[smem:$0x3FB3] =	sst s7  }
0x10: {  	[smem:$0x3FB4] =	sst s8  }
0x11: {  	[smem:$0x3FB5] =	sst s9;
	s0 =	simm.s32 @!p0 $0x0  }
0x12: {  	s1 =	sld [smem:$0x3F9B];
	s0 =	simm.s32 @p0 $0x1  }
0x13: {  	[smem:$0x3FB6] =	sst s0;
	s0 =	simm.s32 @!p1 $0x0  }
0x14: {  	s2 =	sld [smem:$0x3F9A];
	s0 =	simm.s32 @p1 $0x1  }
0x15: {  	[smem:$0x3FB7] =	sst s0;
	s0 =	simm.s32 @!p2 $0x0  }
0x16: {  	s3 =	sld [smem:$0x3FDB];
	s0 =	simm.s32 @p2 $0x1  }
0x17: {  	s4 =	simm.s32 $0x1BF5;
	[smem:$0x3FB9] =	sst s0  }
0x18: {  	s0 =	sld [smem:$0x3F9C];
	_ =	swait.ge [sflag:s4], $0x0  }
0x19: {  	s7 =	sld [smem:$0x3F9D]  }
0x1a: {  	s8 =	sadd.s32 $0xFFFFE003, lr  }
0x1b: {  	s9 =	sadd.s32 $0xFFFFFEF7, lr;
	s5 =	simm.s32 $0xFFFFFFFF;
	p2 =	slt.u32 s8, $0xFFFFF086  }
0x1c: {  	p1 =	slt.u32 s9, $0xF7A;
	s5 =	simm.s32 @!p2 $0x0  }
0x1d: {  	s5 =	simm.s32 @p1 $0x1;
	p0 =	seq.s32 s7, s2  }
0x1e: {  	s7 =	smul.u32 @!p0 $0xF7A, s2;
	p2 =	seq.s32 @!p0 s5, $0x0  }
0x1f: {  	s9 =	smul.u32 $0xF7A, s1;
	s8 =	simm.s32 @!p0 $0x1BF5;
	p2 =	por !p2, p0  }
0x20: {  	[sflag:s8] =	ssyncset.s32 @!p0 $0xFFFFF086;
	s6 =	sadd.s32 @!p0 s3, s7;
	s7 =	simm.s32 @!p0 $0x108  }
0x21: {  	s3 =	sadd.s32 s3, s9;
	s6 =	sadd.s32 @!p0 $0x88, s6;
	s7 =	simm.s32 @p2 $0x1082  }
0x22: {  	[simem:s7], [sflag:s8] =	dma.local @!p0 [hbm:s6], $0xF7A  }
0x23: {  	s9 =	sor.u32 $0xD0000000, s2;
	s6 =	simm.s32 $0x108;
	_ =	swait.ge @!p0 [sflag:s8], $0x0  }
0x24: {  	s3 =	sadd.s32 $0x88, s3;
	s6 =	simm.s32 @!p1 $0x1082;
	[sflag:s4] =	ssyncset.s32 $0xFFFFF086  }
0x25: {  	[simem:s6], [sflag:s4] =	dma.local [hbm:s3], $0xF7A  }
0x26: {  	[smem:$0x3F9D] =	sst s1;
	(tag) =	ssettag s2;
	_ =	strace s9  }
0x27: {  	s1 =	sld [smem:$0x3FAD]  }
0x28: {  	s2 =	sld [smem:$0x3FAE]  }
0x29: {  	s4 =	sld [smem:$0x3FB0]  }
0x2a: {  	p0 =	seq.s32 s5, $0x0;
	s5 =	sld [smem:$0x3FB1]  }
0x2b: {  	s6 =	sld [smem:$0x3FB2]  }
0x2c: {  	s7 =	sld [smem:$0x3FB3]  }
0x2d: {  	s3 =	simm.s32 $0x108;
	s8 =	sld [smem:$0x3FB4]  }
0x2e: {  	s3 =	simm.s32 @!p0 $0x1082;
	s9 =	sld [smem:$0x3FB5]  }
0x2f: {  	lr =	sadd.s32 s0, s3;
	s0 =	sld [smem:$0x3FAC]  }
0x30: {  	s3 =	sld [smem:$0x3FAF]  }
0x31: {  	[smem:$0x3FB8] =	sst s10  }
0x32: {  	s10 =	sld [smem:$0x3FB6];
	_ =	sdelay $0x3  }
0x33: {  	p0 =	seq.s32 s10, $0x1;
	s10 =	sld [smem:$0x3FB8];
	_ =	sdelay $0x3  }
0x34: {  	[smem:$0x3FB8] =	sst s10  }
0x35: {  	s10 =	sld [smem:$0x3FB7];
	_ =	sdelay $0x3  }
0x36: {  	p1 =	seq.s32 s10, $0x1;
	s10 =	sld [smem:$0x3FB8];
	_ =	sdelay $0x3  }
0x37: {  	[smem:$0x3FB8] =	sst s10  }
0x38: {  	s10 =	sld [smem:$0x3FB9]  }
0x39: {  	_ = 	snop;
	(pc) =	sbr.ind lr, $3  }
0x3a: {  	_ = 	snop  }
0x3b: {  	_ = 	snop  }
0x3c: {  	p2 =	seq.s32 s10, $0x1;
	s10 =	sld [smem:$0x3FB8]  }
0x3d: {  	_ =	shalt  }
0x3e: {  	_ =	shalt  }
0x3f: {  	_ =	shalt  }
0x40: {  	_ =	shalt  }
0x41: {  	_ =	shalt  }
0x42: {  	_ =	shalt  }
0x43: {  	_ =	shalt  }
0x44: {  	_ =	shalt  }
0x45: {  	_ =	shalt  }
0x46: {  	_ =	shalt  }
0x47: {  	_ =	shalt  }
0x48: {  	_ =	shalt  }
0x49: {  	_ =	shalt  }
0x4a: {  	_ =	shalt  }
0x4b: {  	_ =	shalt  }
0x4c: {  	_ =	shalt  }
0x4d: {  	_ =	shalt  }
0x4e: {  	_ =	shalt  }
0x4f: {  	_ =	shalt  }
0x50: {  	_ =	shalt  }
0x51: {  	_ =	shalt  }
0x52: {  	_ =	shalt  }
0x53: {  	_ =	shalt  }
0x54: {  	_ =	shalt  }
0x55: {  	_ =	shalt  }
0x56: {  	_ =	shalt  }
0x57: {  	_ =	shalt  }
0x58: {  	_ =	shalt  }
0x59: {  	_ =	shalt  }
0x5a: {  	_ =	shalt  }
0x5b: {  	_ =	shalt  }
0x5c: {  	_ =	shalt  }
0x5d: {  	_ =	shalt  }
0x5e: {  	_ =	shalt  }
0x5f: {  	_ =	shalt  }
0x60: {  	_ =	shalt  }
0x61: {  	_ =	shalt  }
0x62: {  	_ =	shalt  }
0x63: {  	_ =	shalt  }
0x64: {  	_ =	shalt  }
0x65: {  	_ =	shalt  }
0x66: {  	_ =	shalt  }
0x67: {  	_ =	shalt  }
0x68: {  	_ =	shalt  }
0x69: {  	_ =	shalt  }
0x6a: {  	_ =	shalt  }
0x6b: {  	_ =	shalt  }
0x6c: {  	_ =	shalt  }
0x6d: {  	_ =	shalt  }
0x6e: {  	_ =	shalt  }
0x6f: {  	_ =	shalt  }
0x70: {  	_ =	shalt  }
0x71: {  	_ =	shalt  }
0x72: {  	_ =	shalt  }
0x73: {  	_ =	shalt  }
0x74: {  	_ =	shalt  }
0x75: {  	_ =	shalt  }
0x76: {  	_ =	shalt  }
0x77: {  	_ =	shalt  }
0x78: {  	_ =	shalt  }
0x79: {  	_ =	shalt  }
0x7a: {  	_ =	shalt  }
0x7b: {  	_ =	shalt  }
0x7c: {  	_ =	shalt  }
0x7d: {  	_ =	shalt  }
0x7e: {  	_ =	shalt  }
0x7f: {  	_ =	shalt  }
0x80: {  	_ =	shalt  }
0x81: {  	_ =	shalt  }
0x82: {  	_ =	shalt  }
0x83: {  	_ =	shalt  }
0x84: {  	_ =	shalt  }
0x85: {  	_ =	shalt  }
0x86: {  	_ =	shalt  }
0x87: {  	_ =	shalt  }
.Lfunc_end0:
.L_simem_size_0:
called_computation_lowered:
.L_overlay_start_0:
0x88: {  	s2 =	sld [smem:$0x3FD9]  }
0x89: {  	s3 =	sld [smem:$0x3FFE];
	_ =	sdelay $0x1  }
0x8a: {  	s1 =	srdreg.scid  }
0x8b: {  	s0 =	sand.u32 $0x1, s1  }
0x8c: {  	s17 =	sshll.u32 s0, $0xA;
	s2 =	sadd.s32 s3, s2  }
0x8d: {  	s2 =	sadd.s32 s2, s17  }
0x8e: {  	[smem:$0x3FC4] =	sst s2  }
0x8f: {  	_ = 	snop  }
0x90: {  	s2 =	sld [smem:$0x3FD0];
	(tm) =	ssettm $0x1  }
0x91: {  	s18 =	sld [smem:$0x3FFB];
	_ =	sdelay $0x3  }
0x92: {  	_ =	strace s18  }
0x93: {  	s3 =	sld [smem:$0x3FFC];
	_ =	sdelay $0x3  }
0x94: {  	_ =	strace s3  }
0x95: {  	s3 =	sld [smem:$0x3FFD];
	_ =	sdelay $0x3  }
0x96: {  	_ =	strace s3  }
0x97: {  	_ =	strace $0x8FFFFFFF  }
0x98: {  	s19 =	sld [smem:$0x3FDB];
	_ =	sdelay $0x1  }
0x99: {  	s4 =	simm.s32 $_scs_section_size  }
0x9a: {  	s5 =	simm.s32 $_size__tile_overlayer_lowered;
	s6 =	simm.s32 $_tile_overlayer_lowered  }
0x9b: {  	s22 =	simm.s32 $0x1BFF;
	s21 =	sshll.u32 s6, $0x1;
	s3 =	sadd.s32 s4, s19  }
0x9c: {  	s7 =	simm.s32 $0x0;
	s20 =	sshll.u32 s5, $0x1;
	s5 =	sadd.s32 s21, s3  }
0x9d: {  	[timem:s7], [sflag:s22] =	dma.local [hbm:s5], s20  }
0x9e: {  	_ =	swait.ge [sflag:s22], s20  }
0x9f: {  	s4 =	ssub.s32 $0x0, s20;
	[sflag:s22] =	ssyncset.done $0x0  }
0xa0: {  	[sflag:s22] =	ssyncadd.s32 s4;
	_ =	sdelay $0x1  }
0xa1: {  	s23 =	simm.s32 $0x1B8B  }
0xa2: {  	_ =	swait.ge [sflag:s23], $0x1  }
0xa3: {  	[sflag:s23] =	ssyncset.done $0x0  }
0xa4: {  	s25 =	simm.s32 $0x1B8E;
	s24 =	sld [smem:$0x3FFE];
	[sflag:s23] =	ssyncadd.s32 $0xFFFFFFFF  }
0xa5: {  	s26 =	simm.s32 $execute0_lowered;
	[smem:$0x3FD2] =	sst s25  }
0xa6: {  	s5 =	sshll.u32 s26, $0x1;
	_ =	strace $0x80000046;
	[dreg:$0x1] =	wrdreg $0xFFFFFFFF  }
0xa7: {  	s28 =	simm.s32 $_size_execute0_lowered;
	s3 =	sadd.s32 s3, s5;
	[dreg:$0x0] =	wrdreg $0x0  }
0xa8: {  	s5 =	sshll.u32 s28, $0x1;
	[dreg:$0x2] =	wrdreg s3  }
0xa9: {  	[dreg:$0x3] =	wrdreg s5  }
0xaa: {  	[dreg:$0x4] =	wrdreg $0xC0  }
0xab: {  	_ =	task [dreg:s7], $0x5FFFF  }
0xac: {  	[dreg:$0x1] =	wrdreg $0xFFFFFFFF  }
0xad: {  	[dreg:$0x0] =	wrdreg $0x60  }
0xae: {  	[dreg:$0x2] =	wrdreg s24  }
0xaf: {  	[dreg:$0x3] =	wrdreg s2  }
0xb0: {  	[dreg:$0x4] =	wrdreg $0x9  }
0xb1: {  	_ =	task.clear_ibuf [dreg:s7], $0x5FFFF;
	_ =	strace $0x90000046  }
0xb2: {  	s29 =	simm.s32 $0x9;
	_ =	strace $0x80000048  }
0xb3: {  	_ =	swait.ge [sflag:s29], $0x1  }
0xb4: {  	[sflag:s29] =	ssyncadd.s32 $0xFFFFFFFF  }
0xb5: {  	_ =	strace $0x90000048  }
0xb6: {  	_ =	sfence  }
0xb7: {  	s30 =	sld [smem:$0x0];
	_ =	sdelay $0x2  }
0xb8: {  	s31 =	sshll.u32 s1, $0xD;
	s1 =	sshrl.u32 s1, $0x2  }
0xb9: {  	s3 =	sand.u32 $0x4000, s31;
	s1 =	sadd.s32 s1, s30  }
0xba: {  	s0 =	sor.u32 s3, s0;
	s1 =	sshll.u32 s1, $0x11  }
0xbb: {  	s0 =	sor.u32 s1, s0  }
0xbc: {  	s0 =	sadd.s32 $0x8F2B, s0  }
0xbd: {  	[sflag:s0] =	ssyncadd.remote.s32 $0x1  }
0xbe: {  	_ =	sfence.sel $0xFFFF  }
0xbf: {  	[dreg:$0x0] =	wrdreg $0xFFFFFFFF;
	(pc) =	sbr.abs _section_cstart, $3  }
0xc0: {  	[dreg:$0x1] =	wrdreg $0xFFFFFFFF  }
0xc1: {  	_ =	task.clear_ibuf [dreg:s7], $0x2FFFF;
	_ =	strace $0x9FFFFFFF  }
0xc2: {  	(tm) =	ssettm $0x7FFFFFFF  }
0xc3: {  	_ =	shalt  }
tec
execute0_lowered:
.L_overlay_start_1:
0x0: {  	(tag) =	ssettag $0x1  }
0x1: {  	s1 =	srdreg.scid;
	s3 =	rddreg [dreg:$0x0]  }
0x2: {  	s0 =	stileid.u32;
	s5 =	rddreg [dreg:$0x1];
	s2 =	simm.s32 $0x0  }
0x3: {  	s9 =	simm.s32 $0x140;
	s10 =	simm.s32 $0x1540;
	s11 =	simm.s32 $0xA0  }
0x4: {  	s12 =	simm.s32 $0x2940;
	s13 =	simm.s32 $0xF0;
	s14 =	simm.s32 $0x3D40  }
0x5: {  	s15 =	simm.s32 $0x1;
	s16 =	simm.s32 $0x5140;
	s17 =	simm.s32 $0x0  }
0x6: {  	s4 =	sand.u32 $0x1, s1;
	s31 =	sshll.u32 s0, $0x1;
	s1 =	rddreg [dreg:$0x2]  }
0x7: {  	[smem:$0x7FF] =	sst s2;
	s6 =	sor.u32 s4, s31;
	s4 =	ssub.s32 $0x2, s4  }
0x8: {  	s7 =	smul.u32 $0x28, s6;
	s8 =	sshrl.u32 s4, $0x1;
	s6 =	sshll.u32 s6, $0x8  }
0x9: {  	_ =	strace $0x80000047;
	s8 =	ssub.s32 s4, s8;
	s5 =	sadd.s32 s5, s6  }
0xa: {  	s7 =	sadd.s32 s7, s3;
	s3 =	sadd.s32 $0xC00, s3;
	s6 =	smax.u32 s8, $0x1  }
0xb: {  	s8 =	simm.s32 $0x50;
	s4 =	sadd.s32 $0x600, s7;
	s7 =	simm.s32 $0x2  }
.LBB2_1:
0xc: {  	[tilespmem:s2], [sflag:$0x2] =	stream.linear.gather [hbm4b:s4+s2], $0x140, $0x38;
	[tilespmem:$0x5940] =	vst v63  }
0xd: {  	_ =	swait.ge [sflag:s7], $0x140  }
0xe: {  	[sflag:s7] =	ssyncset.done $0x0  }
0xf: {  	[sflag:s7] =	ssyncadd.s32 $0xFFFFFEC0  }
0x10: {  	[tilespmem:s9], [sflag:$0x1] =	stream.indirect.gather [hbm4b:s3+s8], $0x40, s2, s8, $0xb8;
	[tilespmem:$0x5940] =	vst v63  }
0x11: {  	_ = 	snop  }
0x12: {  	[tilespmem:s10], [sflag:$0x1] =	stream.indirect.gather [hbm4b:s3+s8], $0x40, s8, s8, $0xb8;
	[tilespmem:$0x5940] =	vst v63  }
0x13: {  	_ = 	snop  }
0x14: {  	[tilespmem:s12], [sflag:$0x1] =	stream.indirect.gather [hbm4b:s3+s8], $0x40, s11, s8, $0xb8;
	[tilespmem:$0x5940] =	vst v63  }
0x15: {  	_ = 	snop  }
0x16: {  	[tilespmem:s14], [sflag:$0x1] =	stream.indirect.gather [hbm4b:s3+s8], $0x40, s13, s8, $0xb8;
	[tilespmem:$0x5940] =	vst v63  }
0x17: {  	_ =	swait.ge [sflag:s15], $0x1400  }
0x18: {  	[sflag:s15] =	ssyncset.done $0x0  }
0x19: {  	[sflag:s15] =	ssyncadd.s32 $0xFFFFEC00  }
0x1a: {  	_ =	swait.ge [sflag:s15], $0x1400  }
0x1b: {  	[sflag:s15] =	ssyncset.done $0x0  }
0x1c: {  	[sflag:s15] =	ssyncadd.s32 $0xFFFFEC00  }
0x1d: {  	_ =	swait.ge [sflag:s15], $0x1400  }
0x1e: {  	[sflag:s15] =	ssyncset.done $0x0  }
0x1f: {  	[sflag:s15] =	ssyncadd.s32 $0xFFFFEC00  }
0x20: {  	_ =	swait.ge [sflag:s15], $0x1400  }
0x21: {  	[sflag:s15] =	ssyncset.done $0x0  }
0x22: {  	s18 =	simm.s32 $0x280;
	[sflag:s15] =	ssyncadd.s32 $0xFFFFEC00  }
0x23: {  	v0 =	vld [tilespmem:s18+$0xFFFFFF00]  }
0x24: {  	v1 =	vld [tilespmem:s18+$0xFFFFFEC0];
	_ =	sdelay $0x1  }
0x25: {  	v2 =	vld [tilespmem:s18+$0xFFFFFF40];
	_ =	sdelay $0x1  }
0x26: {  	v3 =	vld [tilespmem:s18+$0xFFFFFF80]  }
0x27: {  	v0 =	vadd.f32 v0, v1  }
0x28: {  	v1 =	vld [tilespmem:s18+$0xFFFFFFC0]  }
0x29: {  	v0 =	vadd.f32 v2, v0  }
0x2a: {  	v2 =	vld [tilespmem:s18+$0x0]  }
0x2b: {  	v0 =	vadd.f32 v3, v0  }
0x2c: {  	v3 =	vld [tilespmem:s18+$0x40]  }
0x2d: {  	v0 =	vadd.f32 v1, v0  }
0x2e: {  	v1 =	vld [tilespmem:s18+$0x80]  }
0x2f: {  	v0 =	vadd.f32 v2, v0  }
0x30: {  	v2 =	vld [tilespmem:s18+$0xC0]  }
0x31: {  	v0 =	vadd.f32 v3, v0  }
0x32: {  	v3 =	vld [tilespmem:s18+$0x100]  }
0x33: {  	v0 =	vadd.f32 v1, v0;
	_ =	sdelay $0x1  }
0x34: {  	v0 =	vadd.f32 v2, v0;
	_ =	sdelay $0x1  }
0x35: {  	v0 =	vadd.f32 v3, v0;
	_ =	sdelay $0x1  }
0x36: {  	v0 =	vmul.f32 $1.000000010e-01, v0  }
0x37: {  	s19 =	simm.s32 $0x0  }
0x38: {  	[tilespmem:s19+$0x5140] =	vst v0  }
0x39: {  	v0 =	vld [tilespmem:s18+$0xFFFFFED0]  }
0x3a: {  	v1 =	vld [tilespmem:s18+$0xFFFFFF10];
	_ =	sdelay $0x1  }
0x3b: {  	v2 =	vld [tilespmem:s18+$0xFFFFFF50];
	_ =	sdelay $0x1  }
0x3c: {  	v3 =	vld [tilespmem:s18+$0xFFFFFF90]  }
0x3d: {  	v0 =	vadd.f32 v1, v0  }
0x3e: {  	v1 =	vld [tilespmem:s18+$0xFFFFFFD0]  }
0x3f: {  	v0 =	vadd.f32 v2, v0  }
0x40: {  	v2 =	vld [tilespmem:s18+$0x10]  }
0x41: {  	v0 =	vadd.f32 v3, v0  }
0x42: {  	v3 =	vld [tilespmem:s18+$0x50]  }
0x43: {  	v0 =	vadd.f32 v1, v0  }
0x44: {  	v1 =	vld [tilespmem:s18+$0x90]  }
0x45: {  	v0 =	vadd.f32 v2, v0  }
0x46: {  	v2 =	vld [tilespmem:s18+$0xD0]  }
0x47: {  	v0 =	vadd.f32 v3, v0  }
0x48: {  	v3 =	vld [tilespmem:s18+$0x110]  }
0x49: {  	v0 =	vadd.f32 v1, v0;
	_ =	sdelay $0x1  }
0x4a: {  	v0 =	vadd.f32 v2, v0;
	_ =	sdelay $0x1  }
0x4b: {  	v0 =	vadd.f32 v3, v0;
	_ =	sdelay $0x1  }
0x4c: {  	v0 =	vmul.f32 $1.000000010e-01, v0;
	_ =	sdelay $0x1  }
0x4d: {  	[tilespmem:s19+$0x5150] =	vst v0  }
0x4e: {  	v0 =	vld [tilespmem:s18+$0xFFFFFEE0]  }
0x4f: {  	v1 =	vld [tilespmem:s18+$0xFFFFFF20];
	_ =	sdelay $0x1  }
0x50: {  	v2 =	vld [tilespmem:s18+$0xFFFFFF60];
	_ =	sdelay $0x1  }
0x51: {  	v3 =	vld [tilespmem:s18+$0xFFFFFFA0]  }
0x52: {  	v0 =	vadd.f32 v1, v0  }
0x53: {  	v1 =	vld [tilespmem:s18+$0xFFFFFFE0]  }
0x54: {  	v0 =	vadd.f32 v2, v0  }
0x55: {  	v2 =	vld [tilespmem:s18+$0x20]  }
0x56: {  	v0 =	vadd.f32 v3, v0  }
0x57: {  	v3 =	vld [tilespmem:s18+$0x60]  }
0x58: {  	v0 =	vadd.f32 v1, v0  }
0x59: {  	v1 =	vld [tilespmem:s18+$0xA0]  }
0x5a: {  	v0 =	vadd.f32 v2, v0  }
0x5b: {  	v2 =	vld [tilespmem:s18+$0xE0]  }
0x5c: {  	v0 =	vadd.f32 v3, v0  }
0x5d: {  	v3 =	vld [tilespmem:s18+$0x120]  }
0x5e: {  	v0 =	vadd.f32 v1, v0;
	_ =	sdelay $0x1  }
0x5f: {  	v0 =	vadd.f32 v2, v0;
	_ =	sdelay $0x1  }
0x60: {  	v0 =	vadd.f32 v3, v0;
	_ =	sdelay $0x1  }
0x61: {  	v0 =	vmul.f32 $1.000000010e-01, v0;
	_ =	sdelay $0x1  }
0x62: {  	[tilespmem:s19+$0x5160] =	vst v0  }
0x63: {  	v0 =	vld [tilespmem:s18+$0xFFFFFEF0]  }
0x64: {  	v1 =	vld [tilespmem:s18+$0xFFFFFF30];
	_ =	sdelay $0x1  }
0x65: {  	v2 =	vld [tilespmem:s18+$0xFFFFFF70];
	_ =	sdelay $0x1  }
0x66: {  	v3 =	vld [tilespmem:s18+$0xFFFFFFB0]  }
0x67: {  	v0 =	vadd.f32 v1, v0  }
0x68: {  	v1 =	vld [tilespmem:s18+$0xFFFFFFF0]  }
0x69: {  	v0 =	vadd.f32 v2, v0  }
0x6a: {  	v2 =	vld [tilespmem:s18+$0x30]  }
0x6b: {  	v0 =	vadd.f32 v3, v0  }
0x6c: {  	v3 =	vld [tilespmem:s18+$0x70]  }
0x6d: {  	v0 =	vadd.f32 v1, v0  }
0x6e: {  	v1 =	vld [tilespmem:s18+$0xB0]  }
0x6f: {  	v0 =	vadd.f32 v2, v0;
	_ =	sdelay $0x1  }
0x70: {  	v2 =	vld [tilespmem:s18+$0xF0];
	v0 =	vadd.f32 v3, v0;
	_ =	sdelay $0x1  }
0x71: {  	v1 =	vadd.f32 v1, v0;
	v0 =	vld [tilespmem:s18+$0x130];
	_ =	sdelay $0x2  }
0x72: {  	s20 =	simm.s32 $0x100;
	v1 =	vadd.f32 v2, v1  }
.LBB2_2:
0x73: {  	p0 =	sne.s32 s20, $0x1F00  }
0x74: {  	s18 =	sadd.s32 $0x280, s18;
	s21 =	smov.u32 s20;
	s20 =	sadd.s32 $0x100, s20;
	v0 =	vadd.f32 v0, v1  }
0x75: {  	_ = 	snop  }
0x76: {  	v0 =	vmul.f32 $1.000000010e-01, v0;
	_ =	sdelay $0x1  }
0x77: {  	[tilespmem:s19+$0x5170] =	vst v0  }
0x78: {  	v0 =	vld [tilespmem:s18+$0xFFFFFF00]  }
0x79: {  	v1 =	vld [tilespmem:s18+$0xFFFFFEC0];
	_ =	sdelay $0x1  }
0x7a: {  	v2 =	vld [tilespmem:s18+$0xFFFFFF40];
	_ =	sdelay $0x1  }
0x7b: {  	v3 =	vld [tilespmem:s18+$0xFFFFFF80]  }
0x7c: {  	v0 =	vadd.f32 v0, v1  }
0x7d: {  	v1 =	vld [tilespmem:s18+$0xFFFFFFC0]  }
0x7e: {  	v0 =	vadd.f32 v2, v0  }
0x7f: {  	v2 =	vld [tilespmem:s18+$0x0]  }
0x80: {  	v0 =	vadd.f32 v3, v0  }
0x81: {  	v3 =	vld [tilespmem:s18+$0x40]  }
0x82: {  	v0 =	vadd.f32 v1, v0  }
0x83: {  	v1 =	vld [tilespmem:s18+$0x80]  }
0x84: {  	v0 =	vadd.f32 v2, v0  }
0x85: {  	v2 =	vld [tilespmem:s18+$0xC0]  }
0x86: {  	v0 =	vadd.f32 v3, v0  }
0x87: {  	v3 =	vld [tilespmem:s18+$0x100]  }
0x88: {  	v0 =	vadd.f32 v1, v0;
	_ =	sdelay $0x1  }
0x89: {  	v0 =	vadd.f32 v2, v0;
	_ =	sdelay $0x1  }
0x8a: {  	v0 =	vadd.f32 v3, v0;
	_ =	sdelay $0x1  }
0x8b: {  	v0 =	vmul.f32 $1.000000010e-01, v0  }
0x8c: {  	s19 =	sshra.s32 s21, $0x2  }
0x8d: {  	[tilespmem:s19+$0x5140] =	vst v0  }
0x8e: {  	v0 =	vld [tilespmem:s18+$0xFFFFFED0]  }
0x8f: {  	v1 =	vld [tilespmem:s18+$0xFFFFFF10];
	_ =	sdelay $0x1  }
0x90: {  	v2 =	vld [tilespmem:s18+$0xFFFFFF50];
	_ =	sdelay $0x1  }
0x91: {  	v3 =	vld [tilespmem:s18+$0xFFFFFF90]  }
0x92: {  	v0 =	vadd.f32 v1, v0  }
0x93: {  	v1 =	vld [tilespmem:s18+$0xFFFFFFD0]  }
0x94: {  	v0 =	vadd.f32 v2, v0  }
0x95: {  	v2 =	vld [tilespmem:s18+$0x10]  }
0x96: {  	v0 =	vadd.f32 v3, v0  }
0x97: {  	v3 =	vld [tilespmem:s18+$0x50]  }
0x98: {  	v0 =	vadd.f32 v1, v0  }
0x99: {  	v1 =	vld [tilespmem:s18+$0x90]  }
0x9a: {  	v0 =	vadd.f32 v2, v0  }
0x9b: {  	v2 =	vld [tilespmem:s18+$0xD0]  }
0x9c: {  	v0 =	vadd.f32 v3, v0  }
0x9d: {  	v3 =	vld [tilespmem:s18+$0x110]  }
0x9e: {  	v0 =	vadd.f32 v1, v0;
	_ =	sdelay $0x1  }
0x9f: {  	v0 =	vadd.f32 v2, v0;
	_ =	sdelay $0x1  }
0xa0: {  	v0 =	vadd.f32 v3, v0;
	_ =	sdelay $0x1  }
0xa1: {  	v0 =	vmul.f32 $1.000000010e-01, v0;
	_ =	sdelay $0x1  }
0xa2: {  	[tilespmem:s19+$0x5150] =	vst v0  }
0xa3: {  	v0 =	vld [tilespmem:s18+$0xFFFFFEE0]  }
0xa4: {  	v1 =	vld [tilespmem:s18+$0xFFFFFF20];
	_ =	sdelay $0x1  }
0xa5: {  	v2 =	vld [tilespmem:s18+$0xFFFFFF60];
	_ =	sdelay $0x1  }
0xa6: {  	v3 =	vld [tilespmem:s18+$0xFFFFFFA0]  }
0xa7: {  	v0 =	vadd.f32 v1, v0  }
0xa8: {  	v1 =	vld [tilespmem:s18+$0xFFFFFFE0]  }
0xa9: {  	v0 =	vadd.f32 v2, v0  }
0xaa: {  	v2 =	vld [tilespmem:s18+$0x20]  }
0xab: {  	v0 =	vadd.f32 v3, v0  }
0xac: {  	v3 =	vld [tilespmem:s18+$0x60]  }
0xad: {  	v0 =	vadd.f32 v1, v0  }
0xae: {  	v1 =	vld [tilespmem:s18+$0xA0]  }
0xaf: {  	v0 =	vadd.f32 v2, v0  }
0xb0: {  	v2 =	vld [tilespmem:s18+$0xE0]  }
0xb1: {  	v0 =	vadd.f32 v3, v0  }
0xb2: {  	v3 =	vld [tilespmem:s18+$0x120]  }
0xb3: {  	v0 =	vadd.f32 v1, v0;
	_ =	sdelay $0x1  }
0xb4: {  	v0 =	vadd.f32 v2, v0;
	_ =	sdelay $0x1  }
0xb5: {  	v0 =	vadd.f32 v3, v0;
	_ =	sdelay $0x1  }
0xb6: {  	v0 =	vmul.f32 $1.000000010e-01, v0;
	_ =	sdelay $0x1  }
0xb7: {  	[tilespmem:s19+$0x5160] =	vst v0  }
0xb8: {  	v0 =	vld [tilespmem:s18+$0xFFFFFEF0]  }
0xb9: {  	v1 =	vld [tilespmem:s18+$0xFFFFFF30]  }
0xba: {  	v2 =	vld [tilespmem:s18+$0xFFFFFF70]  }
0xbb: {  	v3 =	vld [tilespmem:s18+$0xFFFFFFB0]  }
0xbc: {  	v4 =	vld [tilespmem:s18+$0xFFFFFFF0]  }
0xbd: {  	v5 =	vld [tilespmem:s18+$0x30]  }
0xbe: {  	v0 =	vadd.f32 v1, v0;
	v1 =	vld [tilespmem:s18+$0x70]  }
0xbf: {  	v6 =	vld [tilespmem:s18+$0xB0]  }
0xc0: {  	v2 =	vadd.f32 v2, v0;
	v7 =	vld [tilespmem:s18+$0xF0]  }
0xc1: {  	v0 =	vld [tilespmem:s18+$0x130]  }
0xc2: {  	v2 =	vadd.f32 v3, v2;
	_ =	sdelay $0x1  }
0xc3: {  	v2 =	vadd.f32 v4, v2;
	_ =	sdelay $0x1  }
0xc4: {  	v2 =	vadd.f32 v5, v2;
	_ =	sdelay $0x1  }
.Ltmp0:
0xc5: {  	v1 =	vadd.f32 v1, v2;
	(pc) =	sbr.rel @p0 .LBB2_2-.Ltmp0, $3  }
0xc6: {  	_ = 	snop  }
0xc7: {  	v1 =	vadd.f32 v6, v1;
	_ =	sdelay $0x1  }
0xc8: {  	v1 =	vadd.f32 v7, v1  }
0xc9: {  	_ = 	snop  }
0xca: {  	v0 =	vadd.f32 v0, v1;
	_ =	sdelay $0x1  }
0xcb: {  	s17 =	sadd.s32 $0x1, s17;
	v0 =	vmul.f32 $1.000000010e-01, v0  }
0xcc: {  	p0 =	sne.s32 s17, s6  }
.Ltmp1:
0xcd: {  	[tilespmem:s19+$0x5170] =	vst v0;
	(pc) =	sbr.rel @p0 .LBB2_1-.Ltmp1, $4  }
0xce: {  	[hbm4b:s5+s2] =	stream.linear.scatter [tilespmem:s16], [sflag:$0x2], $0x800, $0x38;
	[tilespmem:$0x5940] =	vst v63  }
0xcf: {  	_ =	swait.ge [sflag:s7], $0x800  }
0xd0: {  	[sflag:s7] =	ssyncset.done $0x0  }
0xd1: {  	[sflag:s7] =	ssyncadd.s32 $0xFFFFF800  }
0xd2: {  	_ =	sfence.sel $0x180000  }
0xd3: {  	[bflag:$0x0] =	sbarrier.arrive $0xFFFF  }
0xd4: {  	p0 =	sne.s32 s0, $0x0;
	_ =	strace $0x90000047  }
0xd5: {  	s0 =	sadd.s32 @!p0 $0x100000, s1;
	[bflag:$0x2] =	sbarrier.arrive $0xFFFF  }
0xd6: {  	[sflag:s0] =	ssyncadd.tile.s32 @!p0 $0x1;
	_ =	shalt  }
.Lfunc_end2:
_tile_overlayer_lowered:
.L_overlay_start_2:
0xd7: {  	(tag) =	ssettag $0x2  }
0xd8: {  	s0 =	rddreg [dreg:$0x0];
	s2 =	stileid.u32  }
0xd9: {  	s1 =	rddreg [dreg:$0x1];
	p0 =	sne.s32 s2, $0x0  }
0xda: {  	s3 =	rddreg [dreg:$0x2];
	[bflag:$0x3] =	sbarrier.arrive $0xFFFF;
	s2 =	simm.s32 @!p0 $0x1C02  }
0xdb: {  	[timem:s3], [sflag:s2] =	dma.local @!p0 [hbm:s0], s1  }
0xdc: {  	s0 =	simm.s32 @!p0 $0x2  }
0xdd: {  	_ =	swait.ge @!p0 [sflag:s0], s1  }
0xde: {  	s1 =	ssub.s32 @!p0 $0x0, s1;
	[sflag:s0] =	ssyncset.done @!p0 $0x0  }
0xdf: {  	[sflag:s0] =	ssyncadd.s32 @!p0 s1  }
0xe0: {  	[bflag:$0x3] =	sbarrier.arrive $0xFFFF  }
0xe1: {  	_ =	shalt  }

</sc_bundles>
